<compile_context>
chip_gen: v7x
topology: tpu7x:2x2x1
jax: 0.10.2.dev20260603
libtpu: 0.0.44.dev20260713+nightly
codegen_flags: <defaults>
</compile_context>

<pallas_src>
import functools

import jax
import jax.numpy as jnp
from jax import lax
from jax.experimental import pallas as pl
from jax.experimental.pallas import tpu as pltpu
from jax.experimental.pallas import tpu_sc as plsc

B, T, V = 1024, 50, 1000
NC, NS = 2, 16
NW = NC * NS
VH = V // 8
XPAD = 1008
BH = B // 128

_mesh = plsc.VectorSubcoreMesh(core_axis_name="c", subcore_axis_name="s")


@functools.partial(
    pl.kernel,
    out_type=jax.ShapeDtypeStruct((T, VH, BH, 8, 128), jnp.float32),
    mesh=_mesh,
    scratch_types=[
        pltpu.VMEM((T, B), jnp.int32),
        pltpu.VMEM((8 * XPAD,), jnp.float32),
        pltpu.VMEM((BH, 8, 128), jnp.float32),
        pltpu.VMEM((BH, 8, 128), jnp.float32),
        pltpu.SemaphoreType.DMA,
        pltpu.SemaphoreType.DMA,
    ],
    compiler_params=pltpu.CompilerParams(
        use_tc_tiling_on_sc=False, needs_layout_passes=False
    ),
)
def _sc_gather(tableT_hbm, prevT_hbm, out_hbm, prevT_v, tile_v, buf_a, buf_b,
               sem_a, sem_b):
    wid = lax.axis_index("s") * NC + lax.axis_index("c")
    vh_lo = wid * VH // NW
    vh_hi = (wid + 1) * VH // NW
    pltpu.sync_copy(prevT_hbm, prevT_v)

    def fill(t, buf):
        @plsc.parallel_loop(0, BH * 8, unroll=8)
        def _per_chunk(c):
            bh = c // 8
            blc = c % 8
            xs = prevT_v[t, pl.ds(c * 16, 16)]
            for vl in range(8):
                g = plsc.load_gather(tile_v, [xs + vl * XPAD])
                buf[bh, vl, pl.ds(blc * 16, 16)] = g

    def flush(t, vh, buf, sem):
        return pltpu.make_async_copy(buf, out_hbm.at[t, vh], sem)

    def per_vh(vh, carry):
        pltpu.sync_copy(tableT_hbm.at[pl.ds(vh * 8 * XPAD, 8 * XPAD)], tile_v)

        def per_pair(p, carry):
            first = jnp.logical_and(vh == vh_lo, p == 0)
            t = 2 * p

            @pl.when(jnp.logical_not(first))
            def _():
                flush(0, 0, buf_a, sem_a).wait()
            fill(t, buf_a)
            flush(t, vh, buf_a, sem_a).start()

            @pl.when(jnp.logical_not(first))
            def _():
                flush(0, 0, buf_b, sem_b).wait()
            fill(t + 1, buf_b)
            flush(t + 1, vh, buf_b, sem_b).start()
            return carry

        lax.fori_loop(0, T // 2, per_pair, 0)
        return carry

    lax.fori_loop(vh_lo, vh_hi, per_vh, 0)
    flush(0, 0, buf_a, sem_a).wait()
    flush(0, 0, buf_b, sem_b).wait()


def kernel(idx, log_probs):
    idx = idx.astype(jnp.int32)
    tableT = jnp.concatenate(
        [log_probs.T, jnp.zeros((V, XPAD - V), log_probs.dtype)], axis=1
    )
    prev = jnp.concatenate(
        [jnp.full((B, 1), V, jnp.int32), idx[:, :-1]], axis=1
    )
    out5 = _sc_gather(tableT.reshape(-1), prev.T)
    return out5.transpose(2, 4, 0, 1, 3).reshape(B, T, V)

# --- scband reference (transcript-rebuilt; emitter-appended) ---
"""Pipeline reference for scband-bigram-ref-16518444220989 (READ-ONLY COPY).

The authoritative reference and input builder live on the scoring server;
editing this copy changes nothing except your own understanding.
"""

import jax, jax.numpy as jnp
import numpy as np

V = 1000

def setup_inputs(seed: int = 0) -> dict:
    key = jax.random.key(seed)
    k1, k2 = jax.random.split(key)
    idx = jax.random.randint(k1, (1024, 50), 0, V)
    # Materialize the log-prob table buffer. In the torch module this is built from
    # bigram_counts + smoothing then row-normalized and logged; we emulate with
    # random nonnegative counts + smoothing=1.0 so the table is non-degenerate.
    counts = jax.random.uniform(k2, (V, V)) * 5.0
    probs = counts + 1.0
    probs = probs / probs.sum(axis=1, keepdims=True)
    log_probs = jnp.log(probs + 1e-10)
    return {"idx": idx, "log_probs": log_probs}

def reference(idx, log_probs):
    B, T = idx.shape
    Vv = log_probs.shape[0]
    # logits[:, 0, :] = 0; logits[:, t, :] = log_probs[idx[:, t-1], :] for t >= 1
    prev = idx[:, :-1]                       # [B, T-1]
    rest = jnp.take(log_probs, prev, axis=0) # [B, T-1, V] gather (embedding lookup)
    first = jnp.zeros((B, 1, Vv), dtype=log_probs.dtype)
    logits = jnp.concatenate([first, rest], axis=1)  # [B, T, V]
    return logits

if __name__ == "__main__":
    import jax
    _d = setup_inputs()
    print(jax.jit(kernel)(*tuple(_d.values())))

</pallas_src>

<mosaic_0001>
#map = affine_map<(d0, d1) -> (0)>
#map1 = affine_map<(d0, d1) -> (0, 0)>
#map2 = affine_map<(d0, d1) -> (0, 0, 0, 0, 0)>
module attributes {stable_mosaic.version = 14 : i64} {
  func.func @_sc_gather(%arg0: i32, %arg1: i32, %arg2: memref<1008000xf32, #tpu.memory_space<hbm>>, %arg3: memref<50x1024xi32, #tpu.memory_space<hbm>>, %arg4: memref<50x125x8x8x128xf32, #tpu.memory_space<hbm>>, %arg5: memref<50x1024xi32, #tpu.memory_space<vmem>>, %arg6: memref<8064xf32, #tpu.memory_space<vmem>>, %arg7: memref<8x8x128xf32, #tpu.memory_space<vmem>>, %arg8: memref<8x8x128xf32, #tpu.memory_space<vmem>>, %arg9: memref<!tpu.dma_semaphore, #tpu.memory_space<semaphore_mem>>, %arg10: memref<!tpu.dma_semaphore, #tpu.memory_space<semaphore_mem>>) attributes {dimension_semantics = [#tpu.dimension_semantics<core_parallel>, #tpu.dimension_semantics<subcore_parallel>], iteration_bounds = array<i64: 2, 16>, scalar_prefetch = 0 : i64, scratch_operands = 6 : i64, tpu.core_type = #tpu.core_type<sc_vector_subcore>, window_params = [{transform_indices = #map}, {transform_indices = #map1}, {transform_indices = #map2}]} {
    %mul3A = arith.constant 2 : i32
    %mul3A_0 = arith.muli %arg1, %mul3A : i32
    %add3A = arith.addi %mul3A_0, %arg0 : i32
    %mul3A_1 = arith.constant 125 : i32
    %mul3A_2 = arith.muli %add3A, %mul3A_1 : i32
    %jit3A = arith.constant 32 : i32
    %div3A = arith.divsi %mul3A_2, %jit3A : i32
    %sign3A = arith.constant 0 : i32
    %sign3A_3 = arith.cmpi sgt, %mul3A_2, %sign3A : i32
    %sign3A_4 = arith.extui %sign3A_3 : i1 to i32
    %sign3A_5 = arith.constant 0 : i32
    %sign3A_6 = arith.cmpi slt, %mul3A_2, %sign3A_5 : i32
    %sign3A_7 = arith.extui %sign3A_6 : i1 to i32
    %sign3A_8 = arith.subi %sign3A_4, %sign3A_7 : i32
    %sign3A_9 = arith.constant 0 : i32
    %sign3A_10 = arith.cmpi sgt, %jit3A, %sign3A_9 : i32
    %sign3A_11 = arith.extui %sign3A_10 : i1 to i32
    %sign3A_12 = arith.constant 0 : i32
    %sign3A_13 = arith.cmpi slt, %jit3A, %sign3A_12 : i32
    %sign3A_14 = arith.extui %sign3A_13 : i1 to i32
    %sign3A_15 = arith.subi %sign3A_11, %sign3A_14 : i32
    %ne3A = arith.cmpi ne, %sign3A_8, %sign3A_15 : i32
    %rem3A = arith.remsi %mul3A_2, %jit3A : i32
    %ne3A_16 = arith.constant 0 : i32
    %ne3A_17 = arith.cmpi ne, %rem3A, %ne3A_16 : i32
    %and3A = arith.andi %ne3A, %ne3A_17 : i1
    %sub3A = arith.constant 1 : i32
    %sub3A_18 = arith.subi %div3A, %sub3A : i32
    %select_n3A = arith.select %and3A, %sub3A_18, %div3A : i32
    %add3A_19 = arith.constant 1 : i32
    %add3A_20 = arith.addi %add3A, %add3A_19 : i32
    %mul3A_21 = arith.constant 125 : i32
    %mul3A_22 = arith.muli %add3A_20, %mul3A_21 : i32
    %jit3A_23 = arith.constant 32 : i32
    %div3A_24 = arith.divsi %mul3A_22, %jit3A_23 : i32
    %sign3A_25 = arith.constant 0 : i32
    %sign3A_26 = arith.cmpi sgt, %mul3A_22, %sign3A_25 : i32
    %sign3A_27 = arith.extui %sign3A_26 : i1 to i32
    %sign3A_28 = arith.constant 0 : i32
    %sign3A_29 = arith.cmpi slt, %mul3A_22, %sign3A_28 : i32
    %sign3A_30 = arith.extui %sign3A_29 : i1 to i32
    %sign3A_31 = arith.subi %sign3A_27, %sign3A_30 : i32
    %sign3A_32 = arith.constant 0 : i32
    %sign3A_33 = arith.cmpi sgt, %jit3A_23, %sign3A_32 : i32
    %sign3A_34 = arith.extui %sign3A_33 : i1 to i32
    %sign3A_35 = arith.constant 0 : i32
    %sign3A_36 = arith.cmpi slt, %jit3A_23, %sign3A_35 : i32
    %sign3A_37 = arith.extui %sign3A_36 : i1 to i32
    %sign3A_38 = arith.subi %sign3A_34, %sign3A_37 : i32
    %ne3A_39 = arith.cmpi ne, %sign3A_31, %sign3A_38 : i32
    %rem3A_40 = arith.remsi %mul3A_22, %jit3A_23 : i32
    %ne3A_41 = arith.constant 0 : i32
    %ne3A_42 = arith.cmpi ne, %rem3A_40, %ne3A_41 : i32
    %and3A_43 = arith.andi %ne3A_39, %ne3A_42 : i1
    %sub3A_44 = arith.constant 1 : i32
    %sub3A_45 = arith.subi %div3A_24, %sub3A_44 : i32
    %select_n3A_46 = arith.select %and3A_43, %sub3A_45, %div3A_24 : i32
    "tpu.region"() ({
      %run_scoped3A = tpu.sem_alloc : memref<!tpu.dma_semaphore, #tpu.memory_space<semaphore_mem>>
      tpu.enqueue_dma source(%arg3 : memref<50x1024xi32, #tpu.memory_space<hbm>>) target(%arg5 : memref<50x1024xi32, #tpu.memory_space<vmem>>) target_semaphore(%run_scoped3A : memref<!tpu.dma_semaphore, #tpu.memory_space<semaphore_mem>>)
      tpu.wait_dma2 semaphore(%run_scoped3A : memref<!tpu.dma_semaphore, #tpu.memory_space<semaphore_mem>>) src(%arg3 : memref<50x1024xi32, #tpu.memory_space<hbm>>) dst(%arg5 : memref<50x1024xi32, #tpu.memory_space<vmem>>)
      tpu.yield
    }) : () -> ()
    %while3A = arith.constant 0 : i32
    %while3A_47 = arith.subi %select_n3A_46, %select_n3A : i32
    %while3A_48 = arith.addi %select_n3A, %while3A_47 : i32
    %while3A_49 = arith.constant 1 : i32
    %while3A_50 = arith.divsi %while3A_47, %while3A_49 : i32
    %while3A_51 = arith.muli %while3A_50, %while3A_49 : i32
    %while3A_52 = arith.addi %select_n3A, %while3A_51 : i32
    %while3A_53 = arith.constant 1 : i32
    scf.for %while3A_78 = %select_n3A to %while3A_52 step %while3A_53  : i32 {
      %mul3A_79 = arith.constant 8 : i32
      %mul3A_80 = arith.muli %while3A_78, %mul3A_79 : i32
      %mul3A_81 = arith.constant 1008 : i32
      %mul3A_82 = arith.muli %mul3A_80, %mul3A_81 : i32
      "tpu.region"() ({
        %run_scoped3A = tpu.sem_alloc : memref<!tpu.dma_semaphore, #tpu.memory_space<semaphore_mem>>
        %dma_start3A = tpu.memref_slice %arg2[%mul3A_82] : memref<1008000xf32, #tpu.memory_space<hbm>> -> memref<8064xf32, #tpu.memory_space<hbm>>
        %dma_start3A_88 = tpu.memref_slice %arg2[%mul3A_82] : memref<1008000xf32, #tpu.memory_space<hbm>> -> memref<8064xf32, #tpu.memory_space<hbm>>
        tpu.enqueue_dma source(%dma_start3A_88 : memref<8064xf32, #tpu.memory_space<hbm>>) target(%arg6 : memref<8064xf32, #tpu.memory_space<vmem>>) target_semaphore(%run_scoped3A : memref<!tpu.dma_semaphore, #tpu.memory_space<semaphore_mem>>)
        %dma_wait3A_89 = tpu.memref_slice %arg2[%mul3A_82] : memref<1008000xf32, #tpu.memory_space<hbm>> -> memref<8064xf32, #tpu.memory_space<hbm>>
        %dma_wait3A_90 = tpu.memref_slice %arg2[%mul3A_82] : memref<1008000xf32, #tpu.memory_space<hbm>> -> memref<8064xf32, #tpu.memory_space<hbm>>
        tpu.wait_dma2 semaphore(%run_scoped3A : memref<!tpu.dma_semaphore, #tpu.memory_space<semaphore_mem>>) src(%dma_wait3A_90 : memref<8064xf32, #tpu.memory_space<hbm>>) dst(%arg6 : memref<8064xf32, #tpu.memory_space<vmem>>)
        tpu.yield
      }) : () -> ()
      %scan3A = arith.constant 0 : i32
      %scan3A_83 = arith.constant 0 : i32
      %scan3A_84 = arith.constant 25 : i32
      %scan3A_85 = arith.addi %scan3A_83, %scan3A_84 : i32
      %scan3A_86 = arith.constant 1 : i32
      scf.for %scan3A_88 = %scan3A_83 to %scan3A_85 step %scan3A_86  : i32 {
        %eq3A = arith.cmpi eq, %while3A_78, %select_n3A : i32
        %eq3A_89 = arith.constant 0 : i32
        %eq3A_90 = arith.cmpi eq, %scan3A_88, %eq3A_89 : i32
        %and3A_91 = arith.andi %eq3A, %eq3A_90 : i1
        %mul3A_92 = arith.constant 2 : i32
        %mul3A_93 = arith.muli %mul3A_92, %scan3A_88 : i32
        %not3A = arith.constant true
        %not3A_94 = arith.xori %and3A_91, %not3A : i1
        %convert_element_type3A = arith.extui %not3A_94 : i1 to i32
        %cond3A = arith.constant 0 : i32
        %cond3A_95 = arith.cmpi ne, %convert_element_type3A, %cond3A : i32
        scf.if %cond3A_95 {
          %dma_wait3A_129 = arith.constant 0 : i32
          %dma_wait3A_130 = arith.constant 0 : i32
          %dma_wait3A_131 = arith.constant 0 : i32
          %dma_wait3A_132 = arith.constant 0 : i32
          %dma_wait3A_133 = arith.constant 0 : i32
          %dma_wait3A_134 = tpu.memref_slice %arg4[%dma_wait3A_129, %dma_wait3A_130, %dma_wait3A_131, %dma_wait3A_132, %dma_wait3A_133] : memref<50x125x8x8x128xf32, #tpu.memory_space<hbm>> -> memref<1x1x8x8x128xf32, #tpu.memory_space<hbm>>
          %dma_wait3A_135 = tpu.memref_squeeze %dma_wait3A_134 : memref<1x1x8x8x128xf32, #tpu.memory_space<hbm>> -> memref<8x8x128xf32, #tpu.memory_space<hbm>>
          %dma_wait3A_136 = arith.constant 0 : i32
          %dma_wait3A_137 = arith.constant 0 : i32
          %dma_wait3A_138 = arith.constant 0 : i32
          %dma_wait3A_139 = tpu.memref_slice %arg4[%dma_wait3A_129, %dma_wait3A_130, %dma_wait3A_136, %dma_wait3A_137, %dma_wait3A_138] : memref<50x125x8x8x128xf32, #tpu.memory_space<hbm>> -> memref<1x1x8x8x128xf32, #tpu.memory_space<hbm>>
          %dma_wait3A_140 = tpu.memref_squeeze %dma_wait3A_139 : memref<1x1x8x8x128xf32, #tpu.memory_space<hbm>> -> memref<8x8x128xf32, #tpu.memory_space<hbm>>
          tpu.wait_dma2 semaphore(%arg9 : memref<!tpu.dma_semaphore, #tpu.memory_space<semaphore_mem>>) src(%arg7 : memref<8x8x128xf32, #tpu.memory_space<vmem>>) dst(%dma_wait3A_140 : memref<8x8x128xf32, #tpu.memory_space<hbm>>)
        } else {
        }
        %parallel_loop3A = arith.constant 0 : i32
        %parallel_loop3A_96 = arith.constant 64 : i32
        %parallel_loop3A_97 = arith.constant 1 : i32
        scf.for %parallel_loop3A_129 = %parallel_loop3A to %parallel_loop3A_96 step %parallel_loop3A_97  : i32 {
          %parallel_loop3A_130 = arith.constant 8 : i32
          %parallel_loop3A_131 = arith.divsi %parallel_loop3A_129, %parallel_loop3A_130 : i32
          %parallel_loop3A_132 = arith.constant 0 : i32
          %parallel_loop3A_133 = arith.cmpi sgt, %parallel_loop3A_129, %parallel_loop3A_132 : i32
          %parallel_loop3A_134 = arith.extui %parallel_loop3A_133 : i1 to i32
          %parallel_loop3A_135 = arith.constant 0 : i32
          %parallel_loop3A_136 = arith.cmpi slt, %parallel_loop3A_129, %parallel_loop3A_135 : i32
          %parallel_loop3A_137 = arith.extui %parallel_loop3A_136 : i1 to i32
          %parallel_loop3A_138 = arith.subi %parallel_loop3A_134, %parallel_loop3A_137 : i32
          %parallel_loop3A_139 = arith.constant 0 : i32
          %parallel_loop3A_140 = arith.cmpi sgt, %parallel_loop3A_130, %parallel_loop3A_139 : i32
          %parallel_loop3A_141 = arith.extui %parallel_loop3A_140 : i1 to i32
          %parallel_loop3A_142 = arith.constant 0 : i32
          %parallel_loop3A_143 = arith.cmpi slt, %parallel_loop3A_130, %parallel_loop3A_142 : i32
          %parallel_loop3A_144 = arith.extui %parallel_loop3A_143 : i1 to i32
          %parallel_loop3A_145 = arith.subi %parallel_loop3A_141, %parallel_loop3A_144 : i32
          %parallel_loop3A_146 = arith.cmpi ne, %parallel_loop3A_138, %parallel_loop3A_145 : i32
          %parallel_loop3A_147 = arith.remsi %parallel_loop3A_129, %parallel_loop3A_130 : i32
          %parallel_loop3A_148 = arith.constant 0 : i32
          %parallel_loop3A_149 = arith.cmpi ne, %parallel_loop3A_147, %parallel_loop3A_148 : i32
          %parallel_loop3A_150 = arith.andi %parallel_loop3A_146, %parallel_loop3A_149 : i1
          %parallel_loop3A_151 = arith.constant 1 : i32
          %parallel_loop3A_152 = arith.subi %parallel_loop3A_131, %parallel_loop3A_151 : i32
          %parallel_loop3A_153 = arith.select %parallel_loop3A_150, %parallel_loop3A_152, %parallel_loop3A_131 : i32
          %parallel_loop3A_154 = arith.constant 8 : i32
          %parallel_loop3A_155 = arith.constant 0 : i32
          %parallel_loop3A_156 = arith.cmpi eq, %parallel_loop3A_154, %parallel_loop3A_155 : i32
          %parallel_loop3A_157 = arith.constant 1 : i32
          %parallel_loop3A_158 = arith.select %parallel_loop3A_156, %parallel_loop3A_157, %parallel_loop3A_154 : i32
          %parallel_loop3A_159 = arith.remsi %parallel_loop3A_129, %parallel_loop3A_158 : i32
          %parallel_loop3A_160 = arith.constant 0 : i32
          %parallel_loop3A_161 = arith.cmpi ne, %parallel_loop3A_159, %parallel_loop3A_160 : i32
          %parallel_loop3A_162 = arith.constant 0 : i32
          %parallel_loop3A_163 = arith.cmpi slt, %parallel_loop3A_159, %parallel_loop3A_162 : i32
          %parallel_loop3A_164 = arith.constant 0 : i32
          %parallel_loop3A_165 = arith.cmpi slt, %parallel_loop3A_158, %parallel_loop3A_164 : i32
          %parallel_loop3A_166 = arith.xori %parallel_loop3A_163, %parallel_loop3A_165 : i1
          %parallel_loop3A_167 = arith.andi %parallel_loop3A_166, %parallel_loop3A_161 : i1
          %parallel_loop3A_168 = arith.addi %parallel_loop3A_159, %parallel_loop3A_158 : i32
          %parallel_loop3A_169 = arith.select %parallel_loop3A_167, %parallel_loop3A_168, %parallel_loop3A_159 : i32
          %parallel_loop3A_170 = arith.constant 16 : i32
          %parallel_loop3A_171 = arith.muli %parallel_loop3A_129, %parallel_loop3A_170 : i32
          %parallel_loop3A_172 = arith.index_cast %mul3A_93 : i32 to index
          %parallel_loop3A_173 = arith.index_cast %parallel_loop3A_171 : i32 to index
          %parallel_loop3A_174 = tpu.vector_load %arg5[%parallel_loop3A_172, %parallel_loop3A_173] {strides = array<i32>} : memref<50x1024xi32, #tpu.memory_space<vmem>>, vector<16xi32>,
          %parallel_loop3A_175 = arith.constant 0 : i32
          %parallel_loop3A_176 = vector.broadcast %parallel_loop3A_175 : i32 to vector<16xi32>
          %parallel_loop3A_177 = arith.addi %parallel_loop3A_174, %parallel_loop3A_176 : vector<16xi32>
          %parallel_loop3A_178 = tpu.vector_load_idx %arg6[%parallel_loop3A_177] : memref<8064xf32, #tpu.memory_space<vmem>>[vector<16xi32>], vector<16xf32>,
          %parallel_loop3A_179 = arith.constant 16 : i32
          %parallel_loop3A_180 = arith.muli %parallel_loop3A_169, %parallel_loop3A_179 : i32
          %parallel_loop3A_181 = arith.constant 0 : i32
          %parallel_loop3A_182 = arith.index_cast %parallel_loop3A_153 : i32 to index
          %parallel_loop3A_183 = arith.index_cast %parallel_loop3A_181 : i32 to index
          %parallel_loop3A_184 = arith.index_cast %parallel_loop3A_180 : i32 to index
          %parallel_loop3A_185 = tpu.vector_load %arg7[%parallel_loop3A_182, %parallel_loop3A_183, %parallel_loop3A_184] {strides = array<i32>} : memref<8x8x128xf32, #tpu.memory_space<vmem>>, vector<16xf32>,
          tpu.vector_store %arg7[%parallel_loop3A_182, %parallel_loop3A_183, %parallel_loop3A_184], %parallel_loop3A_178 {strides = array<i32>} : memref<8x8x128xf32, #tpu.memory_space<vmem>>, vector<16xf32>,
          %parallel_loop3A_186 = arith.constant 1008 : i32
          %parallel_loop3A_187 = vector.broadcast %parallel_loop3A_186 : i32 to vector<16xi32>
          %parallel_loop3A_188 = arith.addi %parallel_loop3A_174, %parallel_loop3A_187 : vector<16xi32>
          %parallel_loop3A_189 = tpu.vector_load_idx %arg6[%parallel_loop3A_188] : memref<8064xf32, #tpu.memory_space<vmem>>[vector<16xi32>], vector<16xf32>,
          %parallel_loop3A_190 = arith.constant 16 : i32
          %parallel_loop3A_191 = arith.muli %parallel_loop3A_169, %parallel_loop3A_190 : i32
          %parallel_loop3A_192 = arith.constant 1 : i32
          %parallel_loop3A_193 = arith.index_cast %parallel_loop3A_153 : i32 to index
          %parallel_loop3A_194 = arith.index_cast %parallel_loop3A_192 : i32 to index
          %parallel_loop3A_195 = arith.index_cast %parallel_loop3A_191 : i32 to index
          %parallel_loop3A_196 = tpu.vector_load %arg7[%parallel_loop3A_193, %parallel_loop3A_194, %parallel_loop3A_195] {strides = array<i32>} : memref<8x8x128xf32, #tpu.memory_space<vmem>>, vector<16xf32>,
          tpu.vector_store %arg7[%parallel_loop3A_193, %parallel_loop3A_194, %parallel_loop3A_195], %parallel_loop3A_189 {strides = array<i32>} : memref<8x8x128xf32, #tpu.memory_space<vmem>>, vector<16xf32>,
          %parallel_loop3A_197 = arith.constant 2016 : i32
          %parallel_loop3A_198 = vector.broadcast %parallel_loop3A_197 : i32 to vector<16xi32>
          %parallel_loop3A_199 = arith.addi %parallel_loop3A_174, %parallel_loop3A_198 : vector<16xi32>
          %parallel_loop3A_200 = tpu.vector_load_idx %arg6[%parallel_loop3A_199] : memref<8064xf32, #tpu.memory_space<vmem>>[vector<16xi32>], vector<16xf32>,
          %parallel_loop3A_201 = arith.constant 16 : i32
          %parallel_loop3A_202 = arith.muli %parallel_loop3A_169, %parallel_loop3A_201 : i32
          %parallel_loop3A_203 = arith.constant 2 : i32
          %parallel_loop3A_204 = arith.index_cast %parallel_loop3A_153 : i32 to index
          %parallel_loop3A_205 = arith.index_cast %parallel_loop3A_203 : i32 to index
          %parallel_loop3A_206 = arith.index_cast %parallel_loop3A_202 : i32 to index
          %parallel_loop3A_207 = tpu.vector_load %arg7[%parallel_loop3A_204, %parallel_loop3A_205, %parallel_loop3A_206] {strides = array<i32>} : memref<8x8x128xf32, #tpu.memory_space<vmem>>, vector<16xf32>,
          tpu.vector_store %arg7[%parallel_loop3A_204, %parallel_loop3A_205, %parallel_loop3A_206], %parallel_loop3A_200 {strides = array<i32>} : memref<8x8x128xf32, #tpu.memory_space<vmem>>, vector<16xf32>,
          %parallel_loop3A_208 = arith.constant 3024 : i32
          %parallel_loop3A_209 = vector.broadcast %parallel_loop3A_208 : i32 to vector<16xi32>
          %parallel_loop3A_210 = arith.addi %parallel_loop3A_174, %parallel_loop3A_209 : vector<16xi32>
          %parallel_loop3A_211 = tpu.vector_load_idx %arg6[%parallel_loop3A_210] : memref<8064xf32, #tpu.memory_space<vmem>>[vector<16xi32>], vector<16xf32>,
          %parallel_loop3A_212 = arith.constant 16 : i32
          %parallel_loop3A_213 = arith.muli %parallel_loop3A_169, %parallel_loop3A_212 : i32
          %parallel_loop3A_214 = arith.constant 3 : i32
          %parallel_loop3A_215 = arith.index_cast %parallel_loop3A_153 : i32 to index
          %parallel_loop3A_216 = arith.index_cast %parallel_loop3A_214 : i32 to index
          %parallel_loop3A_217 = arith.index_cast %parallel_loop3A_213 : i32 to index
          %parallel_loop3A_218 = tpu.vector_load %arg7[%parallel_loop3A_215, %parallel_loop3A_216, %parallel_loop3A_217] {strides = array<i32>} : memref<8x8x128xf32, #tpu.memory_space<vmem>>, vector<16xf32>,
          tpu.vector_store %arg7[%parallel_loop3A_215, %parallel_loop3A_216, %parallel_loop3A_217], %parallel_loop3A_211 {strides = array<i32>} : memref<8x8x128xf32, #tpu.memory_space<vmem>>, vector<16xf32>,
          %parallel_loop3A_219 = arith.constant 4032 : i32
          %parallel_loop3A_220 = vector.broadcast %parallel_loop3A_219 : i32 to vector<16xi32>
          %parallel_loop3A_221 = arith.addi %parallel_loop3A_174, %parallel_loop3A_220 : vector<16xi32>
          %parallel_loop3A_222 = tpu.vector_load_idx %arg6[%parallel_loop3A_221] : memref<8064xf32, #tpu.memory_space<vmem>>[vector<16xi32>], vector<16xf32>,
          %parallel_loop3A_223 = arith.constant 16 : i32
          %parallel_loop3A_224 = arith.muli %parallel_loop3A_169, %parallel_loop3A_223 : i32
          %parallel_loop3A_225 = arith.constant 4 : i32
          %parallel_loop3A_226 = arith.index_cast %parallel_loop3A_153 : i32 to index
          %parallel_loop3A_227 = arith.index_cast %parallel_loop3A_225 : i32 to index
          %parallel_loop3A_228 = arith.index_cast %parallel_loop3A_224 : i32 to index
          %parallel_loop3A_229 = tpu.vector_load %arg7[%parallel_loop3A_226, %parallel_loop3A_227, %parallel_loop3A_228] {strides = array<i32>} : memref<8x8x128xf32, #tpu.memory_space<vmem>>, vector<16xf32>,
          tpu.vector_store %arg7[%parallel_loop3A_226, %parallel_loop3A_227, %parallel_loop3A_228], %parallel_loop3A_222 {strides = array<i32>} : memref<8x8x128xf32, #tpu.memory_space<vmem>>, vector<16xf32>,
          %parallel_loop3A_230 = arith.constant 5040 : i32
          %parallel_loop3A_231 = vector.broadcast %parallel_loop3A_230 : i32 to vector<16xi32>
          %parallel_loop3A_232 = arith.addi %parallel_loop3A_174, %parallel_loop3A_231 : vector<16xi32>
          %parallel_loop3A_233 = tpu.vector_load_idx %arg6[%parallel_loop3A_232] : memref<8064xf32, #tpu.memory_space<vmem>>[vector<16xi32>], vector<16xf32>,
          %parallel_loop3A_234 = arith.constant 16 : i32
          %parallel_loop3A_235 = arith.muli %parallel_loop3A_169, %parallel_loop3A_234 : i32
          %parallel_loop3A_236 = arith.constant 5 : i32
          %parallel_loop3A_237 = arith.index_cast %parallel_loop3A_153 : i32 to index
          %parallel_loop3A_238 = arith.index_cast %parallel_loop3A_236 : i32 to index
          %parallel_loop3A_239 = arith.index_cast %parallel_loop3A_235 : i32 to index
          %parallel_loop3A_240 = tpu.vector_load %arg7[%parallel_loop3A_237, %parallel_loop3A_238, %parallel_loop3A_239] {strides = array<i32>} : memref<8x8x128xf32, #tpu.memory_space<vmem>>, vector<16xf32>,
          tpu.vector_store %arg7[%parallel_loop3A_237, %parallel_loop3A_238, %parallel_loop3A_239], %parallel_loop3A_233 {strides = array<i32>} : memref<8x8x128xf32, #tpu.memory_space<vmem>>, vector<16xf32>,
          %parallel_loop3A_241 = arith.constant 6048 : i32
          %parallel_loop3A_242 = vector.broadcast %parallel_loop3A_241 : i32 to vector<16xi32>
          %parallel_loop3A_243 = arith.addi %parallel_loop3A_174, %parallel_loop3A_242 : vector<16xi32>
          %parallel_loop3A_244 = tpu.vector_load_idx %arg6[%parallel_loop3A_243] : memref<8064xf32, #tpu.memory_space<vmem>>[vector<16xi32>], vector<16xf32>,
          %parallel_loop3A_245 = arith.constant 16 : i32
          %parallel_loop3A_246 = arith.muli %parallel_loop3A_169, %parallel_loop3A_245 : i32
          %parallel_loop3A_247 = arith.constant 6 : i32
          %parallel_loop3A_248 = arith.index_cast %parallel_loop3A_153 : i32 to index
          %parallel_loop3A_249 = arith.index_cast %parallel_loop3A_247 : i32 to index
          %parallel_loop3A_250 = arith.index_cast %parallel_loop3A_246 : i32 to index
          %parallel_loop3A_251 = tpu.vector_load %arg7[%parallel_loop3A_248, %parallel_loop3A_249, %parallel_loop3A_250] {strides = array<i32>} : memref<8x8x128xf32, #tpu.memory_space<vmem>>, vector<16xf32>,
          tpu.vector_store %arg7[%parallel_loop3A_248, %parallel_loop3A_249, %parallel_loop3A_250], %parallel_loop3A_244 {strides = array<i32>} : memref<8x8x128xf32, #tpu.memory_space<vmem>>, vector<16xf32>,
          %parallel_loop3A_252 = arith.constant 7056 : i32
          %parallel_loop3A_253 = vector.broadcast %parallel_loop3A_252 : i32 to vector<16xi32>
          %parallel_loop3A_254 = arith.addi %parallel_loop3A_174, %parallel_loop3A_253 : vector<16xi32>
          %parallel_loop3A_255 = tpu.vector_load_idx %arg6[%parallel_loop3A_254] : memref<8064xf32, #tpu.memory_space<vmem>>[vector<16xi32>], vector<16xf32>,
          %parallel_loop3A_256 = arith.constant 16 : i32
          %parallel_loop3A_257 = arith.muli %parallel_loop3A_169, %parallel_loop3A_256 : i32
          %parallel_loop3A_258 = arith.constant 7 : i32
          %parallel_loop3A_259 = arith.index_cast %parallel_loop3A_153 : i32 to index
          %parallel_loop3A_260 = arith.index_cast %parallel_loop3A_258 : i32 to index
          %parallel_loop3A_261 = arith.index_cast %parallel_loop3A_257 : i32 to index
          %parallel_loop3A_262 = tpu.vector_load %arg7[%parallel_loop3A_259, %parallel_loop3A_260, %parallel_loop3A_261] {strides = array<i32>} : memref<8x8x128xf32, #tpu.memory_space<vmem>>, vector<16xf32>,
          tpu.vector_store %arg7[%parallel_loop3A_259, %parallel_loop3A_260, %parallel_loop3A_261], %parallel_loop3A_255 {strides = array<i32>} : memref<8x8x128xf32, #tpu.memory_space<vmem>>, vector<16xf32>,
        } {sc.loop_unroll_factor = 8 : i64, sc.parallel_access}
        %dma_start3A = arith.constant 0 : i32
        %dma_start3A_98 = arith.constant 0 : i32
        %dma_start3A_99 = arith.constant 0 : i32
        %dma_start3A_100 = tpu.memref_slice %arg4[%mul3A_93, %while3A_78, %dma_start3A, %dma_start3A_98, %dma_start3A_99] : memref<50x125x8x8x128xf32, #tpu.memory_space<hbm>> -> memref<1x1x8x8x128xf32, #tpu.memory_space<hbm>>
        %dma_start3A_101 = tpu.memref_squeeze %dma_start3A_100 : memref<1x1x8x8x128xf32, #tpu.memory_space<hbm>> -> memref<8x8x128xf32, #tpu.memory_space<hbm>>
        %dma_start3A_102 = arith.constant 0 : i32
        %dma_start3A_103 = arith.constant 0 : i32
        %dma_start3A_104 = arith.constant 0 : i32
        %dma_start3A_105 = tpu.memref_slice %arg4[%mul3A_93, %while3A_78, %dma_start3A_102, %dma_start3A_103, %dma_start3A_104] : memref<50x125x8x8x128xf32, #tpu.memory_space<hbm>> -> memref<1x1x8x8x128xf32, #tpu.memory_space<hbm>>
        %dma_start3A_106 = tpu.memref_squeeze %dma_start3A_105 : memref<1x1x8x8x128xf32, #tpu.memory_space<hbm>> -> memref<8x8x128xf32, #tpu.memory_space<hbm>>
        tpu.enqueue_dma source(%arg7 : memref<8x8x128xf32, #tpu.memory_space<vmem>>) target(%dma_start3A_106 : memref<8x8x128xf32, #tpu.memory_space<hbm>>) target_semaphore(%arg9 : memref<!tpu.dma_semaphore, #tpu.memory_space<semaphore_mem>>)
        %not3A_107 = arith.constant true
        %not3A_108 = arith.xori %and3A_91, %not3A_107 : i1
        %convert_element_type3A_109 = arith.extui %not3A_108 : i1 to i32
        %cond3A_110 = arith.constant 0 : i32
        %cond3A_111 = arith.cmpi ne, %convert_element_type3A_109, %cond3A_110 : i32
        scf.if %cond3A_111 {
          %dma_wait3A_129 = arith.constant 0 : i32
          %dma_wait3A_130 = arith.constant 0 : i32
          %dma_wait3A_131 = arith.constant 0 : i32
          %dma_wait3A_132 = arith.constant 0 : i32
          %dma_wait3A_133 = arith.constant 0 : i32
          %dma_wait3A_134 = tpu.memref_slice %arg4[%dma_wait3A_129, %dma_wait3A_130, %dma_wait3A_131, %dma_wait3A_132, %dma_wait3A_133] : memref<50x125x8x8x128xf32, #tpu.memory_space<hbm>> -> memref<1x1x8x8x128xf32, #tpu.memory_space<hbm>>
          %dma_wait3A_135 = tpu.memref_squeeze %dma_wait3A_134 : memref<1x1x8x8x128xf32, #tpu.memory_space<hbm>> -> memref<8x8x128xf32, #tpu.memory_space<hbm>>
          %dma_wait3A_136 = arith.constant 0 : i32
          %dma_wait3A_137 = arith.constant 0 : i32
          %dma_wait3A_138 = arith.constant 0 : i32
          %dma_wait3A_139 = tpu.memref_slice %arg4[%dma_wait3A_129, %dma_wait3A_130, %dma_wait3A_136, %dma_wait3A_137, %dma_wait3A_138] : memref<50x125x8x8x128xf32, #tpu.memory_space<hbm>> -> memref<1x1x8x8x128xf32, #tpu.memory_space<hbm>>
          %dma_wait3A_140 = tpu.memref_squeeze %dma_wait3A_139 : memref<1x1x8x8x128xf32, #tpu.memory_space<hbm>> -> memref<8x8x128xf32, #tpu.memory_space<hbm>>
          tpu.wait_dma2 semaphore(%arg10 : memref<!tpu.dma_semaphore, #tpu.memory_space<semaphore_mem>>) src(%arg8 : memref<8x8x128xf32, #tpu.memory_space<vmem>>) dst(%dma_wait3A_140 : memref<8x8x128xf32, #tpu.memory_space<hbm>>)
        } else {
        }
        %add3A_112 = arith.constant 1 : i32
        %add3A_113 = arith.addi %mul3A_93, %add3A_112 : i32
        %parallel_loop3A_114 = arith.constant 0 : i32
        %parallel_loop3A_115 = arith.constant 64 : i32
        %parallel_loop3A_116 = arith.constant 1 : i32
        scf.for %parallel_loop3A_129 = %parallel_loop3A_114 to %parallel_loop3A_115 step %parallel_loop3A_116  : i32 {
          %parallel_loop3A_130 = arith.constant 8 : i32
          %parallel_loop3A_131 = arith.divsi %parallel_loop3A_129, %parallel_loop3A_130 : i32
          %parallel_loop3A_132 = arith.constant 0 : i32
          %parallel_loop3A_133 = arith.cmpi sgt, %parallel_loop3A_129, %parallel_loop3A_132 : i32
          %parallel_loop3A_134 = arith.extui %parallel_loop3A_133 : i1 to i32
          %parallel_loop3A_135 = arith.constant 0 : i32
          %parallel_loop3A_136 = arith.cmpi slt, %parallel_loop3A_129, %parallel_loop3A_135 : i32
          %parallel_loop3A_137 = arith.extui %parallel_loop3A_136 : i1 to i32
          %parallel_loop3A_138 = arith.subi %parallel_loop3A_134, %parallel_loop3A_137 : i32
          %parallel_loop3A_139 = arith.constant 0 : i32
          %parallel_loop3A_140 = arith.cmpi sgt, %parallel_loop3A_130, %parallel_loop3A_139 : i32
          %parallel_loop3A_141 = arith.extui %parallel_loop3A_140 : i1 to i32
          %parallel_loop3A_142 = arith.constant 0 : i32
          %parallel_loop3A_143 = arith.cmpi slt, %parallel_loop3A_130, %parallel_loop3A_142 : i32
          %parallel_loop3A_144 = arith.extui %parallel_loop3A_143 : i1 to i32
          %parallel_loop3A_145 = arith.subi %parallel_loop3A_141, %parallel_loop3A_144 : i32
          %parallel_loop3A_146 = arith.cmpi ne, %parallel_loop3A_138, %parallel_loop3A_145 : i32
          %parallel_loop3A_147 = arith.remsi %parallel_loop3A_129, %parallel_loop3A_130 : i32
          %parallel_loop3A_148 = arith.constant 0 : i32
          %parallel_loop3A_149 = arith.cmpi ne, %parallel_loop3A_147, %parallel_loop3A_148 : i32
          %parallel_loop3A_150 = arith.andi %parallel_loop3A_146, %parallel_loop3A_149 : i1
          %parallel_loop3A_151 = arith.constant 1 : i32
          %parallel_loop3A_152 = arith.subi %parallel_loop3A_131, %parallel_loop3A_151 : i32
          %parallel_loop3A_153 = arith.select %parallel_loop3A_150, %parallel_loop3A_152, %parallel_loop3A_131 : i32
          %parallel_loop3A_154 = arith.constant 8 : i32
          %parallel_loop3A_155 = arith.constant 0 : i32
          %parallel_loop3A_156 = arith.cmpi eq, %parallel_loop3A_154, %parallel_loop3A_155 : i32
          %parallel_loop3A_157 = arith.constant 1 : i32
          %parallel_loop3A_158 = arith.select %parallel_loop3A_156, %parallel_loop3A_157, %parallel_loop3A_154 : i32
          %parallel_loop3A_159 = arith.remsi %parallel_loop3A_129, %parallel_loop3A_158 : i32
          %parallel_loop3A_160 = arith.constant 0 : i32
          %parallel_loop3A_161 = arith.cmpi ne, %parallel_loop3A_159, %parallel_loop3A_160 : i32
          %parallel_loop3A_162 = arith.constant 0 : i32
          %parallel_loop3A_163 = arith.cmpi slt, %parallel_loop3A_159, %parallel_loop3A_162 : i32
          %parallel_loop3A_164 = arith.constant 0 : i32
          %parallel_loop3A_165 = arith.cmpi slt, %parallel_loop3A_158, %parallel_loop3A_164 : i32
          %parallel_loop3A_166 = arith.xori %parallel_loop3A_163, %parallel_loop3A_165 : i1
          %parallel_loop3A_167 = arith.andi %parallel_loop3A_166, %parallel_loop3A_161 : i1
          %parallel_loop3A_168 = arith.addi %parallel_loop3A_159, %parallel_loop3A_158 : i32
          %parallel_loop3A_169 = arith.select %parallel_loop3A_167, %parallel_loop3A_168, %parallel_loop3A_159 : i32
          %parallel_loop3A_170 = arith.constant 16 : i32
          %parallel_loop3A_171 = arith.muli %parallel_loop3A_129, %parallel_loop3A_170 : i32
          %parallel_loop3A_172 = arith.index_cast %add3A_113 : i32 to index
          %parallel_loop3A_173 = arith.index_cast %parallel_loop3A_171 : i32 to index
          %parallel_loop3A_174 = tpu.vector_load %arg5[%parallel_loop3A_172, %parallel_loop3A_173] {strides = array<i32>} : memref<50x1024xi32, #tpu.memory_space<vmem>>, vector<16xi32>,
          %parallel_loop3A_175 = arith.constant 0 : i32
          %parallel_loop3A_176 = vector.broadcast %parallel_loop3A_175 : i32 to vector<16xi32>
          %parallel_loop3A_177 = arith.addi %parallel_loop3A_174, %parallel_loop3A_176 : vector<16xi32>
          %parallel_loop3A_178 = tpu.vector_load_idx %arg6[%parallel_loop3A_177] : memref<8064xf32, #tpu.memory_space<vmem>>[vector<16xi32>], vector<16xf32>,
          %parallel_loop3A_179 = arith.constant 16 : i32
          %parallel_loop3A_180 = arith.muli %parallel_loop3A_169, %parallel_loop3A_179 : i32
          %parallel_loop3A_181 = arith.constant 0 : i32
          %parallel_loop3A_182 = arith.index_cast %parallel_loop3A_153 : i32 to index
          %parallel_loop3A_183 = arith.index_cast %parallel_loop3A_181 : i32 to index
          %parallel_loop3A_184 = arith.index_cast %parallel_loop3A_180 : i32 to index
          %parallel_loop3A_185 = tpu.vector_load %arg8[%parallel_loop3A_182, %parallel_loop3A_183, %parallel_loop3A_184] {strides = array<i32>} : memref<8x8x128xf32, #tpu.memory_space<vmem>>, vector<16xf32>,
          tpu.vector_store %arg8[%parallel_loop3A_182, %parallel_loop3A_183, %parallel_loop3A_184], %parallel_loop3A_178 {strides = array<i32>} : memref<8x8x128xf32, #tpu.memory_space<vmem>>, vector<16xf32>,
          %parallel_loop3A_186 = arith.constant 1008 : i32
          %parallel_loop3A_187 = vector.broadcast %parallel_loop3A_186 : i32 to vector<16xi32>
          %parallel_loop3A_188 = arith.addi %parallel_loop3A_174, %parallel_loop3A_187 : vector<16xi32>
          %parallel_loop3A_189 = tpu.vector_load_idx %arg6[%parallel_loop3A_188] : memref<8064xf32, #tpu.memory_space<vmem>>[vector<16xi32>], vector<16xf32>,
          %parallel_loop3A_190 = arith.constant 16 : i32
          %parallel_loop3A_191 = arith.muli %parallel_loop3A_169, %parallel_loop3A_190 : i32
          %parallel_loop3A_192 = arith.constant 1 : i32
          %parallel_loop3A_193 = arith.index_cast %parallel_loop3A_153 : i32 to index
          %parallel_loop3A_194 = arith.index_cast %parallel_loop3A_192 : i32 to index
          %parallel_loop3A_195 = arith.index_cast %parallel_loop3A_191 : i32 to index
          %parallel_loop3A_196 = tpu.vector_load %arg8[%parallel_loop3A_193, %parallel_loop3A_194, %parallel_loop3A_195] {strides = array<i32>} : memref<8x8x128xf32, #tpu.memory_space<vmem>>, vector<16xf32>,
          tpu.vector_store %arg8[%parallel_loop3A_193, %parallel_loop3A_194, %parallel_loop3A_195], %parallel_loop3A_189 {strides = array<i32>} : memref<8x8x128xf32, #tpu.memory_space<vmem>>, vector<16xf32>,
          %parallel_loop3A_197 = arith.constant 2016 : i32
          %parallel_loop3A_198 = vector.broadcast %parallel_loop3A_197 : i32 to vector<16xi32>
          %parallel_loop3A_199 = arith.addi %parallel_loop3A_174, %parallel_loop3A_198 : vector<16xi32>
          %parallel_loop3A_200 = tpu.vector_load_idx %arg6[%parallel_loop3A_199] : memref<8064xf32, #tpu.memory_space<vmem>>[vector<16xi32>], vector<16xf32>,
          %parallel_loop3A_201 = arith.constant 16 : i32
          %parallel_loop3A_202 = arith.muli %parallel_loop3A_169, %parallel_loop3A_201 : i32
          %parallel_loop3A_203 = arith.constant 2 : i32
          %parallel_loop3A_204 = arith.index_cast %parallel_loop3A_153 : i32 to index
          %parallel_loop3A_205 = arith.index_cast %parallel_loop3A_203 : i32 to index
          %parallel_loop3A_206 = arith.index_cast %parallel_loop3A_202 : i32 to index
          %parallel_loop3A_207 = tpu.vector_load %arg8[%parallel_loop3A_204, %parallel_loop3A_205, %parallel_loop3A_206] {strides = array<i32>} : memref<8x8x128xf32, #tpu.memory_space<vmem>>, vector<16xf32>,
          tpu.vector_store %arg8[%parallel_loop3A_204, %parallel_loop3A_205, %parallel_loop3A_206], %parallel_loop3A_200 {strides = array<i32>} : memref<8x8x128xf32, #tpu.memory_space<vmem>>, vector<16xf32>,
          %parallel_loop3A_208 = arith.constant 3024 : i32
          %parallel_loop3A_209 = vector.broadcast %parallel_loop3A_208 : i32 to vector<16xi32>
          %parallel_loop3A_210 = arith.addi %parallel_loop3A_174, %parallel_loop3A_209 : vector<16xi32>
          %parallel_loop3A_211 = tpu.vector_load_idx %arg6[%parallel_loop3A_210] : memref<8064xf32, #tpu.memory_space<vmem>>[vector<16xi32>], vector<16xf32>,
          %parallel_loop3A_212 = arith.constant 16 : i32
          %parallel_loop3A_213 = arith.muli %parallel_loop3A_169, %parallel_loop3A_212 : i32
          %parallel_loop3A_214 = arith.constant 3 : i32
          %parallel_loop3A_215 = arith.index_cast %parallel_loop3A_153 : i32 to index
          %parallel_loop3A_216 = arith.index_cast %parallel_loop3A_214 : i32 to index
          %parallel_loop3A_217 = arith.index_cast %parallel_loop3A_213 : i32 to index
          %parallel_loop3A_218 = tpu.vector_load %arg8[%parallel_loop3A_215, %parallel_loop3A_216, %parallel_loop3A_217] {strides = array<i32>} : memref<8x8x128xf32, #tpu.memory_space<vmem>>, vector<16xf32>,
          tpu.vector_store %arg8[%parallel_loop3A_215, %parallel_loop3A_216, %parallel_loop3A_217], %parallel_loop3A_211 {strides = array<i32>} : memref<8x8x128xf32, #tpu.memory_space<vmem>>, vector<16xf32>,
          %parallel_loop3A_219 = arith.constant 4032 : i32
          %parallel_loop3A_220 = vector.broadcast %parallel_loop3A_219 : i32 to vector<16xi32>
          %parallel_loop3A_221 = arith.addi %parallel_loop3A_174, %parallel_loop3A_220 : vector<16xi32>
          %parallel_loop3A_222 = tpu.vector_load_idx %arg6[%parallel_loop3A_221] : memref<8064xf32, #tpu.memory_space<vmem>>[vector<16xi32>], vector<16xf32>,
          %parallel_loop3A_223 = arith.constant 16 : i32
          %parallel_loop3A_224 = arith.muli %parallel_loop3A_169, %parallel_loop3A_223 : i32
          %parallel_loop3A_225 = arith.constant 4 : i32
          %parallel_loop3A_226 = arith.index_cast %parallel_loop3A_153 : i32 to index
          %parallel_loop3A_227 = arith.index_cast %parallel_loop3A_225 : i32 to index
          %parallel_loop3A_228 = arith.index_cast %parallel_loop3A_224 : i32 to index
          %parallel_loop3A_229 = tpu.vector_load %arg8[%parallel_loop3A_226, %parallel_loop3A_227, %parallel_loop3A_228] {strides = array<i32>} : memref<8x8x128xf32, #tpu.memory_space<vmem>>, vector<16xf32>,
          tpu.vector_store %arg8[%parallel_loop3A_226, %parallel_loop3A_227, %parallel_loop3A_228], %parallel_loop3A_222 {strides = array<i32>} : memref<8x8x128xf32, #tpu.memory_space<vmem>>, vector<16xf32>,
          %parallel_loop3A_230 = arith.constant 5040 : i32
          %parallel_loop3A_231 = vector.broadcast %parallel_loop3A_230 : i32 to vector<16xi32>
          %parallel_loop3A_232 = arith.addi %parallel_loop3A_174, %parallel_loop3A_231 : vector<16xi32>
          %parallel_loop3A_233 = tpu.vector_load_idx %arg6[%parallel_loop3A_232] : memref<8064xf32, #tpu.memory_space<vmem>>[vector<16xi32>], vector<16xf32>,
          %parallel_loop3A_234 = arith.constant 16 : i32
          %parallel_loop3A_235 = arith.muli %parallel_loop3A_169, %parallel_loop3A_234 : i32
          %parallel_loop3A_236 = arith.constant 5 : i32
          %parallel_loop3A_237 = arith.index_cast %parallel_loop3A_153 : i32 to index
          %parallel_loop3A_238 = arith.index_cast %parallel_loop3A_236 : i32 to index
          %parallel_loop3A_239 = arith.index_cast %parallel_loop3A_235 : i32 to index
          %parallel_loop3A_240 = tpu.vector_load %arg8[%parallel_loop3A_237, %parallel_loop3A_238, %parallel_loop3A_239] {strides = array<i32>} : memref<8x8x128xf32, #tpu.memory_space<vmem>>, vector<16xf32>,
          tpu.vector_store %arg8[%parallel_loop3A_237, %parallel_loop3A_238, %parallel_loop3A_239], %parallel_loop3A_233 {strides = array<i32>} : memref<8x8x128xf32, #tpu.memory_space<vmem>>, vector<16xf32>,
          %parallel_loop3A_241 = arith.constant 6048 : i32
          %parallel_loop3A_242 = vector.broadcast %parallel_loop3A_241 : i32 to vector<16xi32>
          %parallel_loop3A_243 = arith.addi %parallel_loop3A_174, %parallel_loop3A_242 : vector<16xi32>
          %parallel_loop3A_244 = tpu.vector_load_idx %arg6[%parallel_loop3A_243] : memref<8064xf32, #tpu.memory_space<vmem>>[vector<16xi32>], vector<16xf32>,
          %parallel_loop3A_245 = arith.constant 16 : i32
          %parallel_loop3A_246 = arith.muli %parallel_loop3A_169, %parallel_loop3A_245 : i32
          %parallel_loop3A_247 = arith.constant 6 : i32
          %parallel_loop3A_248 = arith.index_cast %parallel_loop3A_153 : i32 to index
          %parallel_loop3A_249 = arith.index_cast %parallel_loop3A_247 : i32 to index
          %parallel_loop3A_250 = arith.index_cast %parallel_loop3A_246 : i32 to index
          %parallel_loop3A_251 = tpu.vector_load %arg8[%parallel_loop3A_248, %parallel_loop3A_249, %parallel_loop3A_250] {strides = array<i32>} : memref<8x8x128xf32, #tpu.memory_space<vmem>>, vector<16xf32>,
          tpu.vector_store %arg8[%parallel_loop3A_248, %parallel_loop3A_249, %parallel_loop3A_250], %parallel_loop3A_244 {strides = array<i32>} : memref<8x8x128xf32, #tpu.memory_space<vmem>>, vector<16xf32>,
          %parallel_loop3A_252 = arith.constant 7056 : i32
          %parallel_loop3A_253 = vector.broadcast %parallel_loop3A_252 : i32 to vector<16xi32>
          %parallel_loop3A_254 = arith.addi %parallel_loop3A_174, %parallel_loop3A_253 : vector<16xi32>
          %parallel_loop3A_255 = tpu.vector_load_idx %arg6[%parallel_loop3A_254] : memref<8064xf32, #tpu.memory_space<vmem>>[vector<16xi32>], vector<16xf32>,
          %parallel_loop3A_256 = arith.constant 16 : i32
          %parallel_loop3A_257 = arith.muli %parallel_loop3A_169, %parallel_loop3A_256 : i32
          %parallel_loop3A_258 = arith.constant 7 : i32
          %parallel_loop3A_259 = arith.index_cast %parallel_loop3A_153 : i32 to index
          %parallel_loop3A_260 = arith.index_cast %parallel_loop3A_258 : i32 to index
          %parallel_loop3A_261 = arith.index_cast %parallel_loop3A_257 : i32 to index
          %parallel_loop3A_262 = tpu.vector_load %arg8[%parallel_loop3A_259, %parallel_loop3A_260, %parallel_loop3A_261] {strides = array<i32>} : memref<8x8x128xf32, #tpu.memory_space<vmem>>, vector<16xf32>,
          tpu.vector_store %arg8[%parallel_loop3A_259, %parallel_loop3A_260, %parallel_loop3A_261], %parallel_loop3A_255 {strides = array<i32>} : memref<8x8x128xf32, #tpu.memory_space<vmem>>, vector<16xf32>,
        } {sc.loop_unroll_factor = 8 : i64, sc.parallel_access}
        %add3A_117 = arith.constant 1 : i32
        %add3A_118 = arith.addi %mul3A_93, %add3A_117 : i32
        %dma_start3A_119 = arith.constant 0 : i32
        %dma_start3A_120 = arith.constant 0 : i32
        %dma_start3A_121 = arith.constant 0 : i32
        %dma_start3A_122 = tpu.memref_slice %arg4[%add3A_118, %while3A_78, %dma_start3A_119, %dma_start3A_120, %dma_start3A_121] : memref<50x125x8x8x128xf32, #tpu.memory_space<hbm>> -> memref<1x1x8x8x128xf32, #tpu.memory_space<hbm>>
        %dma_start3A_123 = tpu.memref_squeeze %dma_start3A_122 : memref<1x1x8x8x128xf32, #tpu.memory_space<hbm>> -> memref<8x8x128xf32, #tpu.memory_space<hbm>>
        %dma_start3A_124 = arith.constant 0 : i32
        %dma_start3A_125 = arith.constant 0 : i32
        %dma_start3A_126 = arith.constant 0 : i32
        %dma_start3A_127 = tpu.memref_slice %arg4[%add3A_118, %while3A_78, %dma_start3A_124, %dma_start3A_125, %dma_start3A_126] : memref<50x125x8x8x128xf32, #tpu.memory_space<hbm>> -> memref<1x1x8x8x128xf32, #tpu.memory_space<hbm>>
        %dma_start3A_128 = tpu.memref_squeeze %dma_start3A_127 : memref<1x1x8x8x128xf32, #tpu.memory_space<hbm>> -> memref<8x8x128xf32, #tpu.memory_space<hbm>>
        tpu.enqueue_dma source(%arg8 : memref<8x8x128xf32, #tpu.memory_space<vmem>>) target(%dma_start3A_128 : memref<8x8x128xf32, #tpu.memory_space<hbm>>) target_semaphore(%arg10 : memref<!tpu.dma_semaphore, #tpu.memory_space<semaphore_mem>>)
      }
      %scan3A_87 = arith.constant 25 : i32
    }
    %while3A_54 = arith.constant 1 : i32
    scf.for %while3A_78 = %while3A_52 to %while3A_48 step %while3A_54  : i32 {
      %mul3A_79 = arith.constant 8 : i32
      %mul3A_80 = arith.muli %while3A_78, %mul3A_79 : i32
      %mul3A_81 = arith.constant 1008 : i32
      %mul3A_82 = arith.muli %mul3A_80, %mul3A_81 : i32
      "tpu.region"() ({
        %run_scoped3A = tpu.sem_alloc : memref<!tpu.dma_semaphore, #tpu.memory_space<semaphore_mem>>
        %dma_start3A = tpu.memref_slice %arg2[%mul3A_82] : memref<1008000xf32, #tpu.memory_space<hbm>> -> memref<8064xf32, #tpu.memory_space<hbm>>
        %dma_start3A_88 = tpu.memref_slice %arg2[%mul3A_82] : memref<1008000xf32, #tpu.memory_space<hbm>> -> memref<8064xf32, #tpu.memory_space<hbm>>
        tpu.enqueue_dma source(%dma_start3A_88 : memref<8064xf32, #tpu.memory_space<hbm>>) target(%arg6 : memref<8064xf32, #tpu.memory_space<vmem>>) target_semaphore(%run_scoped3A : memref<!tpu.dma_semaphore, #tpu.memory_space<semaphore_mem>>)
        %dma_wait3A_89 = tpu.memref_slice %arg2[%mul3A_82] : memref<1008000xf32, #tpu.memory_space<hbm>> -> memref<8064xf32, #tpu.memory_space<hbm>>
        %dma_wait3A_90 = tpu.memref_slice %arg2[%mul3A_82] : memref<1008000xf32, #tpu.memory_space<hbm>> -> memref<8064xf32, #tpu.memory_space<hbm>>
        tpu.wait_dma2 semaphore(%run_scoped3A : memref<!tpu.dma_semaphore, #tpu.memory_space<semaphore_mem>>) src(%dma_wait3A_90 : memref<8064xf32, #tpu.memory_space<hbm>>) dst(%arg6 : memref<8064xf32, #tpu.memory_space<vmem>>)
        tpu.yield
      }) : () -> ()
      %scan3A = arith.constant 0 : i32
      %scan3A_83 = arith.constant 0 : i32
      %scan3A_84 = arith.constant 25 : i32
      %scan3A_85 = arith.addi %scan3A_83, %scan3A_84 : i32
      %scan3A_86 = arith.constant 1 : i32
      scf.for %scan3A_88 = %scan3A_83 to %scan3A_85 step %scan3A_86  : i32 {
        %eq3A = arith.cmpi eq, %while3A_78, %select_n3A : i32
        %eq3A_89 = arith.constant 0 : i32
        %eq3A_90 = arith.cmpi eq, %scan3A_88, %eq3A_89 : i32
        %and3A_91 = arith.andi %eq3A, %eq3A_90 : i1
        %mul3A_92 = arith.constant 2 : i32
        %mul3A_93 = arith.muli %mul3A_92, %scan3A_88 : i32
        %not3A = arith.constant true
        %not3A_94 = arith.xori %and3A_91, %not3A : i1
        %convert_element_type3A = arith.extui %not3A_94 : i1 to i32
        %cond3A = arith.constant 0 : i32
        %cond3A_95 = arith.cmpi ne, %convert_element_type3A, %cond3A : i32
        scf.if %cond3A_95 {
          %dma_wait3A_129 = arith.constant 0 : i32
          %dma_wait3A_130 = arith.constant 0 : i32
          %dma_wait3A_131 = arith.constant 0 : i32
          %dma_wait3A_132 = arith.constant 0 : i32
          %dma_wait3A_133 = arith.constant 0 : i32
          %dma_wait3A_134 = tpu.memref_slice %arg4[%dma_wait3A_129, %dma_wait3A_130, %dma_wait3A_131, %dma_wait3A_132, %dma_wait3A_133] : memref<50x125x8x8x128xf32, #tpu.memory_space<hbm>> -> memref<1x1x8x8x128xf32, #tpu.memory_space<hbm>>
          %dma_wait3A_135 = tpu.memref_squeeze %dma_wait3A_134 : memref<1x1x8x8x128xf32, #tpu.memory_space<hbm>> -> memref<8x8x128xf32, #tpu.memory_space<hbm>>
          %dma_wait3A_136 = arith.constant 0 : i32
          %dma_wait3A_137 = arith.constant 0 : i32
          %dma_wait3A_138 = arith.constant 0 : i32
          %dma_wait3A_139 = tpu.memref_slice %arg4[%dma_wait3A_129, %dma_wait3A_130, %dma_wait3A_136, %dma_wait3A_137, %dma_wait3A_138] : memref<50x125x8x8x128xf32, #tpu.memory_space<hbm>> -> memref<1x1x8x8x128xf32, #tpu.memory_space<hbm>>
          %dma_wait3A_140 = tpu.memref_squeeze %dma_wait3A_139 : memref<1x1x8x8x128xf32, #tpu.memory_space<hbm>> -> memref<8x8x128xf32, #tpu.memory_space<hbm>>
          tpu.wait_dma2 semaphore(%arg9 : memref<!tpu.dma_semaphore, #tpu.memory_space<semaphore_mem>>) src(%arg7 : memref<8x8x128xf32, #tpu.memory_space<vmem>>) dst(%dma_wait3A_140 : memref<8x8x128xf32, #tpu.memory_space<hbm>>)
        } else {
        }
        %parallel_loop3A = arith.constant 0 : i32
        %parallel_loop3A_96 = arith.constant 64 : i32
        %parallel_loop3A_97 = arith.constant 1 : i32
        scf.for %parallel_loop3A_129 = %parallel_loop3A to %parallel_loop3A_96 step %parallel_loop3A_97  : i32 {
          %parallel_loop3A_130 = arith.constant 8 : i32
          %parallel_loop3A_131 = arith.divsi %parallel_loop3A_129, %parallel_loop3A_130 : i32
          %parallel_loop3A_132 = arith.constant 0 : i32
          %parallel_loop3A_133 = arith.cmpi sgt, %parallel_loop3A_129, %parallel_loop3A_132 : i32
          %parallel_loop3A_134 = arith.extui %parallel_loop3A_133 : i1 to i32
          %parallel_loop3A_135 = arith.constant 0 : i32
          %parallel_loop3A_136 = arith.cmpi slt, %parallel_loop3A_129, %parallel_loop3A_135 : i32
          %parallel_loop3A_137 = arith.extui %parallel_loop3A_136 : i1 to i32
          %parallel_loop3A_138 = arith.subi %parallel_loop3A_134, %parallel_loop3A_137 : i32
          %parallel_loop3A_139 = arith.constant 0 : i32
          %parallel_loop3A_140 = arith.cmpi sgt, %parallel_loop3A_130, %parallel_loop3A_139 : i32
          %parallel_loop3A_141 = arith.extui %parallel_loop3A_140 : i1 to i32
          %parallel_loop3A_142 = arith.constant 0 : i32
          %parallel_loop3A_143 = arith.cmpi slt, %parallel_loop3A_130, %parallel_loop3A_142 : i32
          %parallel_loop3A_144 = arith.extui %parallel_loop3A_143 : i1 to i32
          %parallel_loop3A_145 = arith.subi %parallel_loop3A_141, %parallel_loop3A_144 : i32
          %parallel_loop3A_146 = arith.cmpi ne, %parallel_loop3A_138, %parallel_loop3A_145 : i32
          %parallel_loop3A_147 = arith.remsi %parallel_loop3A_129, %parallel_loop3A_130 : i32
          %parallel_loop3A_148 = arith.constant 0 : i32
          %parallel_loop3A_149 = arith.cmpi ne, %parallel_loop3A_147, %parallel_loop3A_148 : i32
          %parallel_loop3A_150 = arith.andi %parallel_loop3A_146, %parallel_loop3A_149 : i1
          %parallel_loop3A_151 = arith.constant 1 : i32
          %parallel_loop3A_152 = arith.subi %parallel_loop3A_131, %parallel_loop3A_151 : i32
          %parallel_loop3A_153 = arith.select %parallel_loop3A_150, %parallel_loop3A_152, %parallel_loop3A_131 : i32
          %parallel_loop3A_154 = arith.constant 8 : i32
          %parallel_loop3A_155 = arith.constant 0 : i32
          %parallel_loop3A_156 = arith.cmpi eq, %parallel_loop3A_154, %parallel_loop3A_155 : i32
          %parallel_loop3A_157 = arith.constant 1 : i32
          %parallel_loop3A_158 = arith.select %parallel_loop3A_156, %parallel_loop3A_157, %parallel_loop3A_154 : i32
          %parallel_loop3A_159 = arith.remsi %parallel_loop3A_129, %parallel_loop3A_158 : i32
          %parallel_loop3A_160 = arith.constant 0 : i32
          %parallel_loop3A_161 = arith.cmpi ne, %parallel_loop3A_159, %parallel_loop3A_160 : i32
          %parallel_loop3A_162 = arith.constant 0 : i32
          %parallel_loop3A_163 = arith.cmpi slt, %parallel_loop3A_159, %parallel_loop3A_162 : i32
          %parallel_loop3A_164 = arith.constant 0 : i32
          %parallel_loop3A_165 = arith.cmpi slt, %parallel_loop3A_158, %parallel_loop3A_164 : i32
          %parallel_loop3A_166 = arith.xori %parallel_loop3A_163, %parallel_loop3A_165 : i1
          %parallel_loop3A_167 = arith.andi %parallel_loop3A_166, %parallel_loop3A_161 : i1
          %parallel_loop3A_168 = arith.addi %parallel_loop3A_159, %parallel_loop3A_158 : i32
          %parallel_loop3A_169 = arith.select %parallel_loop3A_167, %parallel_loop3A_168, %parallel_loop3A_159 : i32
          %parallel_loop3A_170 = arith.constant 16 : i32
          %parallel_loop3A_171 = arith.muli %parallel_loop3A_129, %parallel_loop3A_170 : i32
          %parallel_loop3A_172 = arith.index_cast %mul3A_93 : i32 to index
          %parallel_loop3A_173 = arith.index_cast %parallel_loop3A_171 : i32 to index
          %parallel_loop3A_174 = tpu.vector_load %arg5[%parallel_loop3A_172, %parallel_loop3A_173] {strides = array<i32>} : memref<50x1024xi32, #tpu.memory_space<vmem>>, vector<16xi32>,
          %parallel_loop3A_175 = arith.constant 0 : i32
          %parallel_loop3A_176 = vector.broadcast %parallel_loop3A_175 : i32 to vector<16xi32>
          %parallel_loop3A_177 = arith.addi %parallel_loop3A_174, %parallel_loop3A_176 : vector<16xi32>
          %parallel_loop3A_178 = tpu.vector_load_idx %arg6[%parallel_loop3A_177] : memref<8064xf32, #tpu.memory_space<vmem>>[vector<16xi32>], vector<16xf32>,
          %parallel_loop3A_179 = arith.constant 16 : i32
          %parallel_loop3A_180 = arith.muli %parallel_loop3A_169, %parallel_loop3A_179 : i32
          %parallel_loop3A_181 = arith.constant 0 : i32
          %parallel_loop3A_182 = arith.index_cast %parallel_loop3A_153 : i32 to index
          %parallel_loop3A_183 = arith.index_cast %parallel_loop3A_181 : i32 to index
          %parallel_loop3A_184 = arith.index_cast %parallel_loop3A_180 : i32 to index
          %parallel_loop3A_185 = tpu.vector_load %arg7[%parallel_loop3A_182, %parallel_loop3A_183, %parallel_loop3A_184] {strides = array<i32>} : memref<8x8x128xf32, #tpu.memory_space<vmem>>, vector<16xf32>,
          tpu.vector_store %arg7[%parallel_loop3A_182, %parallel_loop3A_183, %parallel_loop3A_184], %parallel_loop3A_178 {strides = array<i32>} : memref<8x8x128xf32, #tpu.memory_space<vmem>>, vector<16xf32>,
          %parallel_loop3A_186 = arith.constant 1008 : i32
          %parallel_loop3A_187 = vector.broadcast %parallel_loop3A_186 : i32 to vector<16xi32>
          %parallel_loop3A_188 = arith.addi %parallel_loop3A_174, %parallel_loop3A_187 : vector<16xi32>
          %parallel_loop3A_189 = tpu.vector_load_idx %arg6[%parallel_loop3A_188] : memref<8064xf32, #tpu.memory_space<vmem>>[vector<16xi32>], vector<16xf32>,
          %parallel_loop3A_190 = arith.constant 16 : i32
          %parallel_loop3A_191 = arith.muli %parallel_loop3A_169, %parallel_loop3A_190 : i32
          %parallel_loop3A_192 = arith.constant 1 : i32
          %parallel_loop3A_193 = arith.index_cast %parallel_loop3A_153 : i32 to index
          %parallel_loop3A_194 = arith.index_cast %parallel_loop3A_192 : i32 to index
          %parallel_loop3A_195 = arith.index_cast %parallel_loop3A_191 : i32 to index
          %parallel_loop3A_196 = tpu.vector_load %arg7[%parallel_loop3A_193, %parallel_loop3A_194, %parallel_loop3A_195] {strides = array<i32>} : memref<8x8x128xf32, #tpu.memory_space<vmem>>, vector<16xf32>,
          tpu.vector_store %arg7[%parallel_loop3A_193, %parallel_loop3A_194, %parallel_loop3A_195], %parallel_loop3A_189 {strides = array<i32>} : memref<8x8x128xf32, #tpu.memory_space<vmem>>, vector<16xf32>,
          %parallel_loop3A_197 = arith.constant 2016 : i32
          %parallel_loop3A_198 = vector.broadcast %parallel_loop3A_197 : i32 to vector<16xi32>
          %parallel_loop3A_199 = arith.addi %parallel_loop3A_174, %parallel_loop3A_198 : vector<16xi32>
          %parallel_loop3A_200 = tpu.vector_load_idx %arg6[%parallel_loop3A_199] : memref<8064xf32, #tpu.memory_space<vmem>>[vector<16xi32>], vector<16xf32>,
          %parallel_loop3A_201 = arith.constant 16 : i32
          %parallel_loop3A_202 = arith.muli %parallel_loop3A_169, %parallel_loop3A_201 : i32
          %parallel_loop3A_203 = arith.constant 2 : i32
          %parallel_loop3A_204 = arith.index_cast %parallel_loop3A_153 : i32 to index
          %parallel_loop3A_205 = arith.index_cast %parallel_loop3A_203 : i32 to index
          %parallel_loop3A_206 = arith.index_cast %parallel_loop3A_202 : i32 to index
          %parallel_loop3A_207 = tpu.vector_load %arg7[%parallel_loop3A_204, %parallel_loop3A_205, %parallel_loop3A_206] {strides = array<i32>} : memref<8x8x128xf32, #tpu.memory_space<vmem>>, vector<16xf32>,
          tpu.vector_store %arg7[%parallel_loop3A_204, %parallel_loop3A_205, %parallel_loop3A_206], %parallel_loop3A_200 {strides = array<i32>} : memref<8x8x128xf32, #tpu.memory_space<vmem>>, vector<16xf32>,
          %parallel_loop3A_208 = arith.constant 3024 : i32
          %parallel_loop3A_209 = vector.broadcast %parallel_loop3A_208 : i32 to vector<16xi32>
          %parallel_loop3A_210 = arith.addi %parallel_loop3A_174, %parallel_loop3A_209 : vector<16xi32>
          %parallel_loop3A_211 = tpu.vector_load_idx %arg6[%parallel_loop3A_210] : memref<8064xf32, #tpu.memory_space<vmem>>[vector<16xi32>], vector<16xf32>,
          %parallel_loop3A_212 = arith.constant 16 : i32
          %parallel_loop3A_213 = arith.muli %parallel_loop3A_169, %parallel_loop3A_212 : i32
          %parallel_loop3A_214 = arith.constant 3 : i32
          %parallel_loop3A_215 = arith.index_cast %parallel_loop3A_153 : i32 to index
          %parallel_loop3A_216 = arith.index_cast %parallel_loop3A_214 : i32 to index
          %parallel_loop3A_217 = arith.index_cast %parallel_loop3A_213 : i32 to index
          %parallel_loop3A_218 = tpu.vector_load %arg7[%parallel_loop3A_215, %parallel_loop3A_216, %parallel_loop3A_217] {strides = array<i32>} : memref<8x8x128xf32, #tpu.memory_space<vmem>>, vector<16xf32>,
          tpu.vector_store %arg7[%parallel_loop3A_215, %parallel_loop3A_216, %parallel_loop3A_217], %parallel_loop3A_211 {strides = array<i32>} : memref<8x8x128xf32, #tpu.memory_space<vmem>>, vector<16xf32>,
          %parallel_loop3A_219 = arith.constant 4032 : i32
          %parallel_loop3A_220 = vector.broadcast %parallel_loop3A_219 : i32 to vector<16xi32>
          %parallel_loop3A_221 = arith.addi %parallel_loop3A_174, %parallel_loop3A_220 : vector<16xi32>
          %parallel_loop3A_222 = tpu.vector_load_idx %arg6[%parallel_loop3A_221] : memref<8064xf32, #tpu.memory_space<vmem>>[vector<16xi32>], vector<16xf32>,
          %parallel_loop3A_223 = arith.constant 16 : i32
          %parallel_loop3A_224 = arith.muli %parallel_loop3A_169, %parallel_loop3A_223 : i32
          %parallel_loop3A_225 = arith.constant 4 : i32
          %parallel_loop3A_226 = arith.index_cast %parallel_loop3A_153 : i32 to index
          %parallel_loop3A_227 = arith.index_cast %parallel_loop3A_225 : i32 to index
          %parallel_loop3A_228 = arith.index_cast %parallel_loop3A_224 : i32 to index
          %parallel_loop3A_229 = tpu.vector_load %arg7[%parallel_loop3A_226, %parallel_loop3A_227, %parallel_loop3A_228] {strides = array<i32>} : memref<8x8x128xf32, #tpu.memory_space<vmem>>, vector<16xf32>,
          tpu.vector_store %arg7[%parallel_loop3A_226, %parallel_loop3A_227, %parallel_loop3A_228], %parallel_loop3A_222 {strides = array<i32>} : memref<8x8x128xf32, #tpu.memory_space<vmem>>, vector<16xf32>,
          %parallel_loop3A_230 = arith.constant 5040 : i32
          %parallel_loop3A_231 = vector.broadcast %parallel_loop3A_230 : i32 to vector<16xi32>
          %parallel_loop3A_232 = arith.addi %parallel_loop3A_174, %parallel_loop3A_231 : vector<16xi32>
          %parallel_loop3A_233 = tpu.vector_load_idx %arg6[%parallel_loop3A_232] : memref<8064xf32, #tpu.memory_space<vmem>>[vector<16xi32>], vector<16xf32>,
          %parallel_loop3A_234 = arith.constant 16 : i32
          %parallel_loop3A_235 = arith.muli %parallel_loop3A_169, %parallel_loop3A_234 : i32
          %parallel_loop3A_236 = arith.constant 5 : i32
          %parallel_loop3A_237 = arith.index_cast %parallel_loop3A_153 : i32 to index
          %parallel_loop3A_238 = arith.index_cast %parallel_loop3A_236 : i32 to index
          %parallel_loop3A_239 = arith.index_cast %parallel_loop3A_235 : i32 to index
          %parallel_loop3A_240 = tpu.vector_load %arg7[%parallel_loop3A_237, %parallel_loop3A_238, %parallel_loop3A_239] {strides = array<i32>} : memref<8x8x128xf32, #tpu.memory_space<vmem>>, vector<16xf32>,
          tpu.vector_store %arg7[%parallel_loop3A_237, %parallel_loop3A_238, %parallel_loop3A_239], %parallel_loop3A_233 {strides = array<i32>} : memref<8x8x128xf32, #tpu.memory_space<vmem>>, vector<16xf32>,
          %parallel_loop3A_241 = arith.constant 6048 : i32
          %parallel_loop3A_242 = vector.broadcast %parallel_loop3A_241 : i32 to vector<16xi32>
          %parallel_loop3A_243 = arith.addi %parallel_loop3A_174, %parallel_loop3A_242 : vector<16xi32>
          %parallel_loop3A_244 = tpu.vector_load_idx %arg6[%parallel_loop3A_243] : memref<8064xf32, #tpu.memory_space<vmem>>[vector<16xi32>], vector<16xf32>,
          %parallel_loop3A_245 = arith.constant 16 : i32
          %parallel_loop3A_246 = arith.muli %parallel_loop3A_169, %parallel_loop3A_245 : i32
          %parallel_loop3A_247 = arith.constant 6 : i32
          %parallel_loop3A_248 = arith.index_cast %parallel_loop3A_153 : i32 to index
          %parallel_loop3A_249 = arith.index_cast %parallel_loop3A_247 : i32 to index
          %parallel_loop3A_250 = arith.index_cast %parallel_loop3A_246 : i32 to index
          %parallel_loop3A_251 = tpu.vector_load %arg7[%parallel_loop3A_248, %parallel_loop3A_249, %parallel_loop3A_250] {strides = array<i32>} : memref<8x8x128xf32, #tpu.memory_space<vmem>>, vector<16xf32>,
          tpu.vector_store %arg7[%parallel_loop3A_248, %parallel_loop3A_249, %parallel_loop3A_250], %parallel_loop3A_244 {strides = array<i32>} : memref<8x8x128xf32, #tpu.memory_space<vmem>>, vector<16xf32>,
          %parallel_loop3A_252 = arith.constant 7056 : i32
          %parallel_loop3A_253 = vector.broadcast %parallel_loop3A_252 : i32 to vector<16xi32>
          %parallel_loop3A_254 = arith.addi %parallel_loop3A_174, %parallel_loop3A_253 : vector<16xi32>
          %parallel_loop3A_255 = tpu.vector_load_idx %arg6[%parallel_loop3A_254] : memref<8064xf32, #tpu.memory_space<vmem>>[vector<16xi32>], vector<16xf32>,
          %parallel_loop3A_256 = arith.constant 16 : i32
          %parallel_loop3A_257 = arith.muli %parallel_loop3A_169, %parallel_loop3A_256 : i32
          %parallel_loop3A_258 = arith.constant 7 : i32
          %parallel_loop3A_259 = arith.index_cast %parallel_loop3A_153 : i32 to index
          %parallel_loop3A_260 = arith.index_cast %parallel_loop3A_258 : i32 to index
          %parallel_loop3A_261 = arith.index_cast %parallel_loop3A_257 : i32 to index
          %parallel_loop3A_262 = tpu.vector_load %arg7[%parallel_loop3A_259, %parallel_loop3A_260, %parallel_loop3A_261] {strides = array<i32>} : memref<8x8x128xf32, #tpu.memory_space<vmem>>, vector<16xf32>,
          tpu.vector_store %arg7[%parallel_loop3A_259, %parallel_loop3A_260, %parallel_loop3A_261], %parallel_loop3A_255 {strides = array<i32>} : memref<8x8x128xf32, #tpu.memory_space<vmem>>, vector<16xf32>,
        } {sc.loop_unroll_factor = 8 : i64, sc.parallel_access}
        %dma_start3A = arith.constant 0 : i32
        %dma_start3A_98 = arith.constant 0 : i32
        %dma_start3A_99 = arith.constant 0 : i32
        %dma_start3A_100 = tpu.memref_slice %arg4[%mul3A_93, %while3A_78, %dma_start3A, %dma_start3A_98, %dma_start3A_99] : memref<50x125x8x8x128xf32, #tpu.memory_space<hbm>> -> memref<1x1x8x8x128xf32, #tpu.memory_space<hbm>>
        %dma_start3A_101 = tpu.memref_squeeze %dma_start3A_100 : memref<1x1x8x8x128xf32, #tpu.memory_space<hbm>> -> memref<8x8x128xf32, #tpu.memory_space<hbm>>
        %dma_start3A_102 = arith.constant 0 : i32
        %dma_start3A_103 = arith.constant 0 : i32
        %dma_start3A_104 = arith.constant 0 : i32
        %dma_start3A_105 = tpu.memref_slice %arg4[%mul3A_93, %while3A_78, %dma_start3A_102, %dma_start3A_103, %dma_start3A_104] : memref<50x125x8x8x128xf32, #tpu.memory_space<hbm>> -> memref<1x1x8x8x128xf32, #tpu.memory_space<hbm>>
        %dma_start3A_106 = tpu.memref_squeeze %dma_start3A_105 : memref<1x1x8x8x128xf32, #tpu.memory_space<hbm>> -> memref<8x8x128xf32, #tpu.memory_space<hbm>>
        tpu.enqueue_dma source(%arg7 : memref<8x8x128xf32, #tpu.memory_space<vmem>>) target(%dma_start3A_106 : memref<8x8x128xf32, #tpu.memory_space<hbm>>) target_semaphore(%arg9 : memref<!tpu.dma_semaphore, #tpu.memory_space<semaphore_mem>>)
        %not3A_107 = arith.constant true
        %not3A_108 = arith.xori %and3A_91, %not3A_107 : i1
        %convert_element_type3A_109 = arith.extui %not3A_108 : i1 to i32
        %cond3A_110 = arith.constant 0 : i32
        %cond3A_111 = arith.cmpi ne, %convert_element_type3A_109, %cond3A_110 : i32
        scf.if %cond3A_111 {
          %dma_wait3A_129 = arith.constant 0 : i32
          %dma_wait3A_130 = arith.constant 0 : i32
          %dma_wait3A_131 = arith.constant 0 : i32
          %dma_wait3A_132 = arith.constant 0 : i32
          %dma_wait3A_133 = arith.constant 0 : i32
          %dma_wait3A_134 = tpu.memref_slice %arg4[%dma_wait3A_129, %dma_wait3A_130, %dma_wait3A_131, %dma_wait3A_132, %dma_wait3A_133] : memref<50x125x8x8x128xf32, #tpu.memory_space<hbm>> -> memref<1x1x8x8x128xf32, #tpu.memory_space<hbm>>
          %dma_wait3A_135 = tpu.memref_squeeze %dma_wait3A_134 : memref<1x1x8x8x128xf32, #tpu.memory_space<hbm>> -> memref<8x8x128xf32, #tpu.memory_space<hbm>>
          %dma_wait3A_136 = arith.constant 0 : i32
          %dma_wait3A_137 = arith.constant 0 : i32
          %dma_wait3A_138 = arith.constant 0 : i32
          %dma_wait3A_139 = tpu.memref_slice %arg4[%dma_wait3A_129, %dma_wait3A_130, %dma_wait3A_136, %dma_wait3A_137, %dma_wait3A_138] : memref<50x125x8x8x128xf32, #tpu.memory_space<hbm>> -> memref<1x1x8x8x128xf32, #tpu.memory_space<hbm>>
          %dma_wait3A_140 = tpu.memref_squeeze %dma_wait3A_139 : memref<1x1x8x8x128xf32, #tpu.memory_space<hbm>> -> memref<8x8x128xf32, #tpu.memory_space<hbm>>
          tpu.wait_dma2 semaphore(%arg10 : memref<!tpu.dma_semaphore, #tpu.memory_space<semaphore_mem>>) src(%arg8 : memref<8x8x128xf32, #tpu.memory_space<vmem>>) dst(%dma_wait3A_140 : memref<8x8x128xf32, #tpu.memory_space<hbm>>)
        } else {
        }
        %add3A_112 = arith.constant 1 : i32
        %add3A_113 = arith.addi %mul3A_93, %add3A_112 : i32
        %parallel_loop3A_114 = arith.constant 0 : i32
        %parallel_loop3A_115 = arith.constant 64 : i32
        %parallel_loop3A_116 = arith.constant 1 : i32
        scf.for %parallel_loop3A_129 = %parallel_loop3A_114 to %parallel_loop3A_115 step %parallel_loop3A_116  : i32 {
          %parallel_loop3A_130 = arith.constant 8 : i32
          %parallel_loop3A_131 = arith.divsi %parallel_loop3A_129, %parallel_loop3A_130 : i32
          %parallel_loop3A_132 = arith.constant 0 : i32
          %parallel_loop3A_133 = arith.cmpi sgt, %parallel_loop3A_129, %parallel_loop3A_132 : i32
          %parallel_loop3A_134 = arith.extui %parallel_loop3A_133 : i1 to i32
          %parallel_loop3A_135 = arith.constant 0 : i32
          %parallel_loop3A_136 = arith.cmpi slt, %parallel_loop3A_129, %parallel_loop3A_135 : i32
          %parallel_loop3A_137 = arith.extui %parallel_loop3A_136 : i1 to i32
          %parallel_loop3A_138 = arith.subi %parallel_loop3A_134, %parallel_loop3A_137 : i32
          %parallel_loop3A_139 = arith.constant 0 : i32
          %parallel_loop3A_140 = arith.cmpi sgt, %parallel_loop3A_130, %parallel_loop3A_139 : i32
          %parallel_loop3A_141 = arith.extui %parallel_loop3A_140 : i1 to i32
          %parallel_loop3A_142 = arith.constant 0 : i32
          %parallel_loop3A_143 = arith.cmpi slt, %parallel_loop3A_130, %parallel_loop3A_142 : i32
          %parallel_loop3A_144 = arith.extui %parallel_loop3A_143 : i1 to i32
          %parallel_loop3A_145 = arith.subi %parallel_loop3A_141, %parallel_loop3A_144 : i32
          %parallel_loop3A_146 = arith.cmpi ne, %parallel_loop3A_138, %parallel_loop3A_145 : i32
          %parallel_loop3A_147 = arith.remsi %parallel_loop3A_129, %parallel_loop3A_130 : i32
          %parallel_loop3A_148 = arith.constant 0 : i32
          %parallel_loop3A_149 = arith.cmpi ne, %parallel_loop3A_147, %parallel_loop3A_148 : i32
          %parallel_loop3A_150 = arith.andi %parallel_loop3A_146, %parallel_loop3A_149 : i1
          %parallel_loop3A_151 = arith.constant 1 : i32
          %parallel_loop3A_152 = arith.subi %parallel_loop3A_131, %parallel_loop3A_151 : i32
          %parallel_loop3A_153 = arith.select %parallel_loop3A_150, %parallel_loop3A_152, %parallel_loop3A_131 : i32
          %parallel_loop3A_154 = arith.constant 8 : i32
          %parallel_loop3A_155 = arith.constant 0 : i32
          %parallel_loop3A_156 = arith.cmpi eq, %parallel_loop3A_154, %parallel_loop3A_155 : i32
          %parallel_loop3A_157 = arith.constant 1 : i32
          %parallel_loop3A_158 = arith.select %parallel_loop3A_156, %parallel_loop3A_157, %parallel_loop3A_154 : i32
          %parallel_loop3A_159 = arith.remsi %parallel_loop3A_129, %parallel_loop3A_158 : i32
          %parallel_loop3A_160 = arith.constant 0 : i32
          %parallel_loop3A_161 = arith.cmpi ne, %parallel_loop3A_159, %parallel_loop3A_160 : i32
          %parallel_loop3A_162 = arith.constant 0 : i32
          %parallel_loop3A_163 = arith.cmpi slt, %parallel_loop3A_159, %parallel_loop3A_162 : i32
          %parallel_loop3A_164 = arith.constant 0 : i32
          %parallel_loop3A_165 = arith.cmpi slt, %parallel_loop3A_158, %parallel_loop3A_164 : i32
          %parallel_loop3A_166 = arith.xori %parallel_loop3A_163, %parallel_loop3A_165 : i1
          %parallel_loop3A_167 = arith.andi %parallel_loop3A_166, %parallel_loop3A_161 : i1
          %parallel_loop3A_168 = arith.addi %parallel_loop3A_159, %parallel_loop3A_158 : i32
          %parallel_loop3A_169 = arith.select %parallel_loop3A_167, %parallel_loop3A_168, %parallel_loop3A_159 : i32
          %parallel_loop3A_170 = arith.constant 16 : i32
          %parallel_loop3A_171 = arith.muli %parallel_loop3A_129, %parallel_loop3A_170 : i32
          %parallel_loop3A_172 = arith.index_cast %add3A_113 : i32 to index
          %parallel_loop3A_173 = arith.index_cast %parallel_loop3A_171 : i32 to index
          %parallel_loop3A_174 = tpu.vector_load %arg5[%parallel_loop3A_172, %parallel_loop3A_173] {strides = array<i32>} : memref<50x1024xi32, #tpu.memory_space<vmem>>, vector<16xi32>,
          %parallel_loop3A_175 = arith.constant 0 : i32
          %parallel_loop3A_176 = vector.broadcast %parallel_loop3A_175 : i32 to vector<16xi32>
          %parallel_loop3A_177 = arith.addi %parallel_loop3A_174, %parallel_loop3A_176 : vector<16xi32>
          %parallel_loop3A_178 = tpu.vector_load_idx %arg6[%parallel_loop3A_177] : memref<8064xf32, #tpu.memory_space<vmem>>[vector<16xi32>], vector<16xf32>,
          %parallel_loop3A_179 = arith.constant 16 : i32
          %parallel_loop3A_180 = arith.muli %parallel_loop3A_169, %parallel_loop3A_179 : i32
          %parallel_loop3A_181 = arith.constant 0 : i32
          %parallel_loop3A_182 = arith.index_cast %parallel_loop3A_153 : i32 to index
          %parallel_loop3A_183 = arith.index_cast %parallel_loop3A_181 : i32 to index
          %parallel_loop3A_184 = arith.index_cast %parallel_loop3A_180 : i32 to index
          %parallel_loop3A_185 = tpu.vector_load %arg8[%parallel_loop3A_182, %parallel_loop3A_183, %parallel_loop3A_184] {strides = array<i32>} : memref<8x8x128xf32, #tpu.memory_space<vmem>>, vector<16xf32>,
          tpu.vector_store %arg8[%parallel_loop3A_182, %parallel_loop3A_183, %parallel_loop3A_184], %parallel_loop3A_178 {strides = array<i32>} : memref<8x8x128xf32, #tpu.memory_space<vmem>>, vector<16xf32>,
          %parallel_loop3A_186 = arith.constant 1008 : i32
          %parallel_loop3A_187 = vector.broadcast %parallel_loop3A_186 : i32 to vector<16xi32>
          %parallel_loop3A_188 = arith.addi %parallel_loop3A_174, %parallel_loop3A_187 : vector<16xi32>
          %parallel_loop3A_189 = tpu.vector_load_idx %arg6[%parallel_loop3A_188] : memref<8064xf32, #tpu.memory_space<vmem>>[vector<16xi32>], vector<16xf32>,
          %parallel_loop3A_190 = arith.constant 16 : i32
          %parallel_loop3A_191 = arith.muli %parallel_loop3A_169, %parallel_loop3A_190 : i32
          %parallel_loop3A_192 = arith.constant 1 : i32
          %parallel_loop3A_193 = arith.index_cast %parallel_loop3A_153 : i32 to index
          %parallel_loop3A_194 = arith.index_cast %parallel_loop3A_192 : i32 to index
          %parallel_loop3A_195 = arith.index_cast %parallel_loop3A_191 : i32 to index
          %parallel_loop3A_196 = tpu.vector_load %arg8[%parallel_loop3A_193, %parallel_loop3A_194, %parallel_loop3A_195] {strides = array<i32>} : memref<8x8x128xf32, #tpu.memory_space<vmem>>, vector<16xf32>,
          tpu.vector_store %arg8[%parallel_loop3A_193, %parallel_loop3A_194, %parallel_loop3A_195], %parallel_loop3A_189 {strides = array<i32>} : memref<8x8x128xf32, #tpu.memory_space<vmem>>, vector<16xf32>,
          %parallel_loop3A_197 = arith.constant 2016 : i32
          %parallel_loop3A_198 = vector.broadcast %parallel_loop3A_197 : i32 to vector<16xi32>
          %parallel_loop3A_199 = arith.addi %parallel_loop3A_174, %parallel_loop3A_198 : vector<16xi32>
          %parallel_loop3A_200 = tpu.vector_load_idx %arg6[%parallel_loop3A_199] : memref<8064xf32, #tpu.memory_space<vmem>>[vector<16xi32>], vector<16xf32>,
          %parallel_loop3A_201 = arith.constant 16 : i32
          %parallel_loop3A_202 = arith.muli %parallel_loop3A_169, %parallel_loop3A_201 : i32
          %parallel_loop3A_203 = arith.constant 2 : i32
          %parallel_loop3A_204 = arith.index_cast %parallel_loop3A_153 : i32 to index
          %parallel_loop3A_205 = arith.index_cast %parallel_loop3A_203 : i32 to index
          %parallel_loop3A_206 = arith.index_cast %parallel_loop3A_202 : i32 to index
          %parallel_loop3A_207 = tpu.vector_load %arg8[%parallel_loop3A_204, %parallel_loop3A_205, %parallel_loop3A_206] {strides = array<i32>} : memref<8x8x128xf32, #tpu.memory_space<vmem>>, vector<16xf32>,
          tpu.vector_store %arg8[%parallel_loop3A_204, %parallel_loop3A_205, %parallel_loop3A_206], %parallel_loop3A_200 {strides = array<i32>} : memref<8x8x128xf32, #tpu.memory_space<vmem>>, vector<16xf32>,
          %parallel_loop3A_208 = arith.constant 3024 : i32
          %parallel_loop3A_209 = vector.broadcast %parallel_loop3A_208 : i32 to vector<16xi32>
          %parallel_loop3A_210 = arith.addi %parallel_loop3A_174, %parallel_loop3A_209 : vector<16xi32>
          %parallel_loop3A_211 = tpu.vector_load_idx %arg6[%parallel_loop3A_210] : memref<8064xf32, #tpu.memory_space<vmem>>[vector<16xi32>], vector<16xf32>,
          %parallel_loop3A_212 = arith.constant 16 : i32
          %parallel_loop3A_213 = arith.muli %parallel_loop3A_169, %parallel_loop3A_212 : i32
          %parallel_loop3A_214 = arith.constant 3 : i32
          %parallel_loop3A_215 = arith.index_cast %parallel_loop3A_153 : i32 to index
          %parallel_loop3A_216 = arith.index_cast %parallel_loop3A_214 : i32 to index
          %parallel_loop3A_217 = arith.index_cast %parallel_loop3A_213 : i32 to index
          %parallel_loop3A_218 = tpu.vector_load %arg8[%parallel_loop3A_215, %parallel_loop3A_216, %parallel_loop3A_217] {strides = array<i32>} : memref<8x8x128xf32, #tpu.memory_space<vmem>>, vector<16xf32>,
          tpu.vector_store %arg8[%parallel_loop3A_215, %parallel_loop3A_216, %parallel_loop3A_217], %parallel_loop3A_211 {strides = array<i32>} : memref<8x8x128xf32, #tpu.memory_space<vmem>>, vector<16xf32>,
          %parallel_loop3A_219 = arith.constant 4032 : i32
          %parallel_loop3A_220 = vector.broadcast %parallel_loop3A_219 : i32 to vector<16xi32>
          %parallel_loop3A_221 = arith.addi %parallel_loop3A_174, %parallel_loop3A_220 : vector<16xi32>
          %parallel_loop3A_222 = tpu.vector_load_idx %arg6[%parallel_loop3A_221] : memref<8064xf32, #tpu.memory_space<vmem>>[vector<16xi32>], vector<16xf32>,
          %parallel_loop3A_223 = arith.constant 16 : i32
          %parallel_loop3A_224 = arith.muli %parallel_loop3A_169, %parallel_loop3A_223 : i32
          %parallel_loop3A_225 = arith.constant 4 : i32
          %parallel_loop3A_226 = arith.index_cast %parallel_loop3A_153 : i32 to index
          %parallel_loop3A_227 = arith.index_cast %parallel_loop3A_225 : i32 to index
          %parallel_loop3A_228 = arith.index_cast %parallel_loop3A_224 : i32 to index
          %parallel_loop3A_229 = tpu.vector_load %arg8[%parallel_loop3A_226, %parallel_loop3A_227, %parallel_loop3A_228] {strides = array<i32>} : memref<8x8x128xf32, #tpu.memory_space<vmem>>, vector<16xf32>,
          tpu.vector_store %arg8[%parallel_loop3A_226, %parallel_loop3A_227, %parallel_loop3A_228], %parallel_loop3A_222 {strides = array<i32>} : memref<8x8x128xf32, #tpu.memory_space<vmem>>, vector<16xf32>,
          %parallel_loop3A_230 = arith.constant 5040 : i32
          %parallel_loop3A_231 = vector.broadcast %parallel_loop3A_230 : i32 to vector<16xi32>
          %parallel_loop3A_232 = arith.addi %parallel_loop3A_174, %parallel_loop3A_231 : vector<16xi32>
          %parallel_loop3A_233 = tpu.vector_load_idx %arg6[%parallel_loop3A_232] : memref<8064xf32, #tpu.memory_space<vmem>>[vector<16xi32>], vector<16xf32>,
          %parallel_loop3A_234 = arith.constant 16 : i32
          %parallel_loop3A_235 = arith.muli %parallel_loop3A_169, %parallel_loop3A_234 : i32
          %parallel_loop3A_236 = arith.constant 5 : i32
          %parallel_loop3A_237 = arith.index_cast %parallel_loop3A_153 : i32 to index
          %parallel_loop3A_238 = arith.index_cast %parallel_loop3A_236 : i32 to index
          %parallel_loop3A_239 = arith.index_cast %parallel_loop3A_235 : i32 to index
          %parallel_loop3A_240 = tpu.vector_load %arg8[%parallel_loop3A_237, %parallel_loop3A_238, %parallel_loop3A_239] {strides = array<i32>} : memref<8x8x128xf32, #tpu.memory_space<vmem>>, vector<16xf32>,
          tpu.vector_store %arg8[%parallel_loop3A_237, %parallel_loop3A_238, %parallel_loop3A_239], %parallel_loop3A_233 {strides = array<i32>} : memref<8x8x128xf32, #tpu.memory_space<vmem>>, vector<16xf32>,
          %parallel_loop3A_241 = arith.constant 6048 : i32
          %parallel_loop3A_242 = vector.broadcast %parallel_loop3A_241 : i32 to vector<16xi32>
          %parallel_loop3A_243 = arith.addi %parallel_loop3A_174, %parallel_loop3A_242 : vector<16xi32>
          %parallel_loop3A_244 = tpu.vector_load_idx %arg6[%parallel_loop3A_243] : memref<8064xf32, #tpu.memory_space<vmem>>[vector<16xi32>], vector<16xf32>,
          %parallel_loop3A_245 = arith.constant 16 : i32
          %parallel_loop3A_246 = arith.muli %parallel_loop3A_169, %parallel_loop3A_245 : i32
          %parallel_loop3A_247 = arith.constant 6 : i32
          %parallel_loop3A_248 = arith.index_cast %parallel_loop3A_153 : i32 to index
          %parallel_loop3A_249 = arith.index_cast %parallel_loop3A_247 : i32 to index
          %parallel_loop3A_250 = arith.index_cast %parallel_loop3A_246 : i32 to index
          %parallel_loop3A_251 = tpu.vector_load %arg8[%parallel_loop3A_248, %parallel_loop3A_249, %parallel_loop3A_250] {strides = array<i32>} : memref<8x8x128xf32, #tpu.memory_space<vmem>>, vector<16xf32>,
          tpu.vector_store %arg8[%parallel_loop3A_248, %parallel_loop3A_249, %parallel_loop3A_250], %parallel_loop3A_244 {strides = array<i32>} : memref<8x8x128xf32, #tpu.memory_space<vmem>>, vector<16xf32>,
          %parallel_loop3A_252 = arith.constant 7056 : i32
          %parallel_loop3A_253 = vector.broadcast %parallel_loop3A_252 : i32 to vector<16xi32>
          %parallel_loop3A_254 = arith.addi %parallel_loop3A_174, %parallel_loop3A_253 : vector<16xi32>
          %parallel_loop3A_255 = tpu.vector_load_idx %arg6[%parallel_loop3A_254] : memref<8064xf32, #tpu.memory_space<vmem>>[vector<16xi32>], vector<16xf32>,
          %parallel_loop3A_256 = arith.constant 16 : i32
          %parallel_loop3A_257 = arith.muli %parallel_loop3A_169, %parallel_loop3A_256 : i32
          %parallel_loop3A_258 = arith.constant 7 : i32
          %parallel_loop3A_259 = arith.index_cast %parallel_loop3A_153 : i32 to index
          %parallel_loop3A_260 = arith.index_cast %parallel_loop3A_258 : i32 to index
          %parallel_loop3A_261 = arith.index_cast %parallel_loop3A_257 : i32 to index
          %parallel_loop3A_262 = tpu.vector_load %arg8[%parallel_loop3A_259, %parallel_loop3A_260, %parallel_loop3A_261] {strides = array<i32>} : memref<8x8x128xf32, #tpu.memory_space<vmem>>, vector<16xf32>,
          tpu.vector_store %arg8[%parallel_loop3A_259, %parallel_loop3A_260, %parallel_loop3A_261], %parallel_loop3A_255 {strides = array<i32>} : memref<8x8x128xf32, #tpu.memory_space<vmem>>, vector<16xf32>,
        } {sc.loop_unroll_factor = 8 : i64, sc.parallel_access}
        %add3A_117 = arith.constant 1 : i32
        %add3A_118 = arith.addi %mul3A_93, %add3A_117 : i32
        %dma_start3A_119 = arith.constant 0 : i32
        %dma_start3A_120 = arith.constant 0 : i32
        %dma_start3A_121 = arith.constant 0 : i32
        %dma_start3A_122 = tpu.memref_slice %arg4[%add3A_118, %while3A_78, %dma_start3A_119, %dma_start3A_120, %dma_start3A_121] : memref<50x125x8x8x128xf32, #tpu.memory_space<hbm>> -> memref<1x1x8x8x128xf32, #tpu.memory_space<hbm>>
        %dma_start3A_123 = tpu.memref_squeeze %dma_start3A_122 : memref<1x1x8x8x128xf32, #tpu.memory_space<hbm>> -> memref<8x8x128xf32, #tpu.memory_space<hbm>>
        %dma_start3A_124 = arith.constant 0 : i32
        %dma_start3A_125 = arith.constant 0 : i32
        %dma_start3A_126 = arith.constant 0 : i32
        %dma_start3A_127 = tpu.memref_slice %arg4[%add3A_118, %while3A_78, %dma_start3A_124, %dma_start3A_125, %dma_start3A_126] : memref<50x125x8x8x128xf32, #tpu.memory_space<hbm>> -> memref<1x1x8x8x128xf32, #tpu.memory_space<hbm>>
        %dma_start3A_128 = tpu.memref_squeeze %dma_start3A_127 : memref<1x1x8x8x128xf32, #tpu.memory_space<hbm>> -> memref<8x8x128xf32, #tpu.memory_space<hbm>>
        tpu.enqueue_dma source(%arg8 : memref<8x8x128xf32, #tpu.memory_space<vmem>>) target(%dma_start3A_128 : memref<8x8x128xf32, #tpu.memory_space<hbm>>) target_semaphore(%arg10 : memref<!tpu.dma_semaphore, #tpu.memory_space<semaphore_mem>>)
      }
      %scan3A_87 = arith.constant 25 : i32
    }
    %dma_wait3A = arith.constant 0 : i32
    %dma_wait3A_55 = arith.constant 0 : i32
    %dma_wait3A_56 = arith.constant 0 : i32
    %dma_wait3A_57 = arith.constant 0 : i32
    %dma_wait3A_58 = arith.constant 0 : i32
    %dma_wait3A_59 = tpu.memref_slice %arg4[%dma_wait3A, %dma_wait3A_55, %dma_wait3A_56, %dma_wait3A_57, %dma_wait3A_58] : memref<50x125x8x8x128xf32, #tpu.memory_space<hbm>> -> memref<1x1x8x8x128xf32, #tpu.memory_space<hbm>>
    %dma_wait3A_60 = tpu.memref_squeeze %dma_wait3A_59 : memref<1x1x8x8x128xf32, #tpu.memory_space<hbm>> -> memref<8x8x128xf32, #tpu.memory_space<hbm>>
    %dma_wait3A_61 = arith.constant 0 : i32
    %dma_wait3A_62 = arith.constant 0 : i32
    %dma_wait3A_63 = arith.constant 0 : i32
    %dma_wait3A_64 = tpu.memref_slice %arg4[%dma_wait3A, %dma_wait3A_55, %dma_wait3A_61, %dma_wait3A_62, %dma_wait3A_63] : memref<50x125x8x8x128xf32, #tpu.memory_space<hbm>> -> memref<1x1x8x8x128xf32, #tpu.memory_space<hbm>>
    %dma_wait3A_65 = tpu.memref_squeeze %dma_wait3A_64 : memref<1x1x8x8x128xf32, #tpu.memory_space<hbm>> -> memref<8x8x128xf32, #tpu.memory_space<hbm>>
    tpu.wait_dma2 semaphore(%arg9 : memref<!tpu.dma_semaphore, #tpu.memory_space<semaphore_mem>>) src(%arg7 : memref<8x8x128xf32, #tpu.memory_space<vmem>>) dst(%dma_wait3A_65 : memref<8x8x128xf32, #tpu.memory_space<hbm>>)
    %dma_wait3A_66 = arith.constant 0 : i32
    %dma_wait3A_67 = arith.constant 0 : i32
    %dma_wait3A_68 = arith.constant 0 : i32
    %dma_wait3A_69 = arith.constant 0 : i32
    %dma_wait3A_70 = arith.constant 0 : i32
    %dma_wait3A_71 = tpu.memref_slice %arg4[%dma_wait3A_66, %dma_wait3A_67, %dma_wait3A_68, %dma_wait3A_69, %dma_wait3A_70] : memref<50x125x8x8x128xf32, #tpu.memory_space<hbm>> -> memref<1x1x8x8x128xf32, #tpu.memory_space<hbm>>
    %dma_wait3A_72 = tpu.memref_squeeze %dma_wait3A_71 : memref<1x1x8x8x128xf32, #tpu.memory_space<hbm>> -> memref<8x8x128xf32, #tpu.memory_space<hbm>>
    %dma_wait3A_73 = arith.constant 0 : i32
    %dma_wait3A_74 = arith.constant 0 : i32
    %dma_wait3A_75 = arith.constant 0 : i32
    %dma_wait3A_76 = tpu.memref_slice %arg4[%dma_wait3A_66, %dma_wait3A_67, %dma_wait3A_73, %dma_wait3A_74, %dma_wait3A_75] : memref<50x125x8x8x128xf32, #tpu.memory_space<hbm>> -> memref<1x1x8x8x128xf32, #tpu.memory_space<hbm>>
    %dma_wait3A_77 = tpu.memref_squeeze %dma_wait3A_76 : memref<1x1x8x8x128xf32, #tpu.memory_space<hbm>> -> memref<8x8x128xf32, #tpu.memory_space<hbm>>
    tpu.wait_dma2 semaphore(%arg10 : memref<!tpu.dma_semaphore, #tpu.memory_space<semaphore_mem>>) src(%arg8 : memref<8x8x128xf32, #tpu.memory_space<vmem>>) dst(%dma_wait3A_77 : memref<8x8x128xf32, #tpu.memory_space<hbm>>)
    return
  }
}

</mosaic_0001>

<sc_bundles>
// kernel: kernel.3.cloned.1.call-start
scs
__scs_entry_jumppad:
0x0: {  	(pc) =	sbr.rel $0x88, $3  }
0x1: {  	(tag) =	ssettag $0x0;
	lr =	simm.s32 $0x1  }
0x2: {  	[smem:$0x3F9F] =	sst lr;
	_ =	strace $0xD0000000  }
0x3: {  	_ = 	snop  }
0x4: {  	_ = 	snop  }
0x5: {  	_ = 	snop  }
0x6: {  	_ = 	snop  }
0x7: {  	_ = 	snop  }
__scs_overlays_trampoline_lowered:
0x8: {  	[smem:$0x3FAE] =	sst s0  }
0x9: {  	[smem:$0x3FAF] =	sst s1  }
0xa: {  	[smem:$0x3FB0] =	sst s2  }
0xb: {  	[smem:$0x3FB1] =	sst s3  }
0xc: {  	[smem:$0x3FB2] =	sst s4  }
0xd: {  	[smem:$0x3FB3] =	sst s5  }
0xe: {  	[smem:$0x3FB4] =	sst s6  }
0xf: {  	[smem:$0x3FB5] =	sst s7  }
0x10: {  	[smem:$0x3FB6] =	sst s8  }
0x11: {  	[smem:$0x3FB7] =	sst s9;
	s0 =	simm.s32 @!p0 $0x0  }
0x12: {  	s1 =	sld [smem:$0x3F9D];
	s0 =	simm.s32 @p0 $0x1  }
0x13: {  	[smem:$0x3FB8] =	sst s0;
	s0 =	simm.s32 @!p1 $0x0  }
0x14: {  	s2 =	sld [smem:$0x3F9C];
	s0 =	simm.s32 @p1 $0x1  }
0x15: {  	[smem:$0x3FB9] =	sst s0;
	s0 =	simm.s32 @!p2 $0x0  }
0x16: {  	s3 =	sld [smem:$0x3FDB];
	s0 =	simm.s32 @p2 $0x1  }
0x17: {  	s4 =	simm.s32 $0x1BF5;
	[smem:$0x3FBB] =	sst s0  }
0x18: {  	s0 =	sld [smem:$0x3F9E];
	_ =	swait.ge [sflag:s4], $0x0  }
0x19: {  	s7 =	sld [smem:$0x3F9F]  }
0x1a: {  	s8 =	sadd.s32 $0xFFFFE003, lr  }
0x1b: {  	s9 =	sadd.s32 $0xFFFFFEF7, lr;
	s5 =	simm.s32 $0xFFFFFFFF;
	p2 =	slt.u32 s8, $0xFFFFF086  }
0x1c: {  	p1 =	slt.u32 s9, $0xF7A;
	s5 =	simm.s32 @!p2 $0x0  }
0x1d: {  	s5 =	simm.s32 @p1 $0x1;
	p0 =	seq.s32 s7, s2  }
0x1e: {  	s7 =	smul.u32 @!p0 $0xF7A, s2;
	p2 =	seq.s32 @!p0 s5, $0x0  }
0x1f: {  	s9 =	smul.u32 $0xF7A, s1;
	s8 =	simm.s32 @!p0 $0x1BF5;
	p2 =	por !p2, p0  }
0x20: {  	[sflag:s8] =	ssyncset.s32 @!p0 $0xFFFFF086;
	s6 =	sadd.s32 @!p0 s3, s7;
	s7 =	simm.s32 @!p0 $0x108  }
0x21: {  	s3 =	sadd.s32 s3, s9;
	s6 =	sadd.s32 @!p0 $0x88, s6;
	s7 =	simm.s32 @p2 $0x1082  }
0x22: {  	[simem:s7], [sflag:s8] =	dma.local @!p0 [hbm:s6], $0xF7A  }
0x23: {  	s9 =	sor.u32 $0xD0000000, s2;
	s6 =	simm.s32 $0x108;
	_ =	swait.ge @!p0 [sflag:s8], $0x0  }
0x24: {  	s3 =	sadd.s32 $0x88, s3;
	s6 =	simm.s32 @!p1 $0x1082;
	[sflag:s4] =	ssyncset.s32 $0xFFFFF086  }
0x25: {  	[simem:s6], [sflag:s4] =	dma.local [hbm:s3], $0xF7A  }
0x26: {  	[smem:$0x3F9F] =	sst s1;
	(tag) =	ssettag s2;
	_ =	strace s9  }
0x27: {  	s1 =	sld [smem:$0x3FAF]  }
0x28: {  	s2 =	sld [smem:$0x3FB0]  }
0x29: {  	s4 =	sld [smem:$0x3FB2]  }
0x2a: {  	p0 =	seq.s32 s5, $0x0;
	s5 =	sld [smem:$0x3FB3]  }
0x2b: {  	s6 =	sld [smem:$0x3FB4]  }
0x2c: {  	s7 =	sld [smem:$0x3FB5]  }
0x2d: {  	s3 =	simm.s32 $0x108;
	s8 =	sld [smem:$0x3FB6]  }
0x2e: {  	s3 =	simm.s32 @!p0 $0x1082;
	s9 =	sld [smem:$0x3FB7]  }
0x2f: {  	lr =	sadd.s32 s0, s3;
	s0 =	sld [smem:$0x3FAE]  }
0x30: {  	s3 =	sld [smem:$0x3FB1]  }
0x31: {  	[smem:$0x3FBA] =	sst s10  }
0x32: {  	s10 =	sld [smem:$0x3FB8];
	_ =	sdelay $0x3  }
0x33: {  	p0 =	seq.s32 s10, $0x1;
	s10 =	sld [smem:$0x3FBA];
	_ =	sdelay $0x3  }
0x34: {  	[smem:$0x3FBA] =	sst s10  }
0x35: {  	s10 =	sld [smem:$0x3FB9];
	_ =	sdelay $0x3  }
0x36: {  	p1 =	seq.s32 s10, $0x1;
	s10 =	sld [smem:$0x3FBA];
	_ =	sdelay $0x3  }
0x37: {  	[smem:$0x3FBA] =	sst s10  }
0x38: {  	s10 =	sld [smem:$0x3FBB]  }
0x39: {  	_ = 	snop;
	(pc) =	sbr.ind lr, $3  }
0x3a: {  	_ = 	snop  }
0x3b: {  	_ = 	snop  }
0x3c: {  	p2 =	seq.s32 s10, $0x1;
	s10 =	sld [smem:$0x3FBA]  }
0x3d: {  	_ =	shalt  }
0x3e: {  	_ =	shalt  }
0x3f: {  	_ =	shalt  }
0x40: {  	_ =	shalt  }
0x41: {  	_ =	shalt  }
0x42: {  	_ =	shalt  }
0x43: {  	_ =	shalt  }
0x44: {  	_ =	shalt  }
0x45: {  	_ =	shalt  }
0x46: {  	_ =	shalt  }
0x47: {  	_ =	shalt  }
0x48: {  	_ =	shalt  }
0x49: {  	_ =	shalt  }
0x4a: {  	_ =	shalt  }
0x4b: {  	_ =	shalt  }
0x4c: {  	_ =	shalt  }
0x4d: {  	_ =	shalt  }
0x4e: {  	_ =	shalt  }
0x4f: {  	_ =	shalt  }
0x50: {  	_ =	shalt  }
0x51: {  	_ =	shalt  }
0x52: {  	_ =	shalt  }
0x53: {  	_ =	shalt  }
0x54: {  	_ =	shalt  }
0x55: {  	_ =	shalt  }
0x56: {  	_ =	shalt  }
0x57: {  	_ =	shalt  }
0x58: {  	_ =	shalt  }
0x59: {  	_ =	shalt  }
0x5a: {  	_ =	shalt  }
0x5b: {  	_ =	shalt  }
0x5c: {  	_ =	shalt  }
0x5d: {  	_ =	shalt  }
0x5e: {  	_ =	shalt  }
0x5f: {  	_ =	shalt  }
0x60: {  	_ =	shalt  }
0x61: {  	_ =	shalt  }
0x62: {  	_ =	shalt  }
0x63: {  	_ =	shalt  }
0x64: {  	_ =	shalt  }
0x65: {  	_ =	shalt  }
0x66: {  	_ =	shalt  }
0x67: {  	_ =	shalt  }
0x68: {  	_ =	shalt  }
0x69: {  	_ =	shalt  }
0x6a: {  	_ =	shalt  }
0x6b: {  	_ =	shalt  }
0x6c: {  	_ =	shalt  }
0x6d: {  	_ =	shalt  }
0x6e: {  	_ =	shalt  }
0x6f: {  	_ =	shalt  }
0x70: {  	_ =	shalt  }
0x71: {  	_ =	shalt  }
0x72: {  	_ =	shalt  }
0x73: {  	_ =	shalt  }
0x74: {  	_ =	shalt  }
0x75: {  	_ =	shalt  }
0x76: {  	_ =	shalt  }
0x77: {  	_ =	shalt  }
0x78: {  	_ =	shalt  }
0x79: {  	_ =	shalt  }
0x7a: {  	_ =	shalt  }
0x7b: {  	_ =	shalt  }
0x7c: {  	_ =	shalt  }
0x7d: {  	_ =	shalt  }
0x7e: {  	_ =	shalt  }
0x7f: {  	_ =	shalt  }
0x80: {  	_ =	shalt  }
0x81: {  	_ =	shalt  }
0x82: {  	_ =	shalt  }
0x83: {  	_ =	shalt  }
0x84: {  	_ =	shalt  }
0x85: {  	_ =	shalt  }
0x86: {  	_ =	shalt  }
0x87: {  	_ =	shalt  }
.Lfunc_end0:
.L_simem_size_0:
called_computation_lowered:
.L_overlay_start_0:
0x88: {  	s2 =	sld [smem:$0x3FD9]  }
0x89: {  	s3 =	sld [smem:$0x3FFE];
	_ =	sdelay $0x1  }
0x8a: {  	s1 =	srdreg.scid  }
0x8b: {  	s0 =	sand.u32 $0x1, s1  }
0x8c: {  	s17 =	sshll.u32 s0, $0xA;
	s2 =	sadd.s32 s3, s2  }
0x8d: {  	s2 =	sadd.s32 s2, s17  }
0x8e: {  	[smem:$0x3FC6] =	sst s2  }
0x8f: {  	_ = 	snop  }
0x90: {  	s2 =	sld [smem:$0x3FD0];
	(tm) =	ssettm $0x1  }
0x91: {  	s18 =	sld [smem:$0x3FFB];
	_ =	sdelay $0x3  }
0x92: {  	_ =	strace s18  }
0x93: {  	s3 =	sld [smem:$0x3FFC];
	_ =	sdelay $0x3  }
0x94: {  	_ =	strace s3  }
0x95: {  	s3 =	sld [smem:$0x3FFD];
	_ =	sdelay $0x3  }
0x96: {  	_ =	strace s3  }
0x97: {  	_ =	strace $0x8FFFFFFF  }
0x98: {  	s19 =	sld [smem:$0x3FDB];
	_ =	sdelay $0x1  }
0x99: {  	s4 =	simm.s32 $_scs_section_size  }
0x9a: {  	s5 =	simm.s32 $_size__tile_overlayer_lowered;
	s6 =	simm.s32 $_tile_overlayer_lowered  }
0x9b: {  	s22 =	simm.s32 $0x1BFF;
	s21 =	sshll.u32 s6, $0x1;
	s3 =	sadd.s32 s4, s19  }
0x9c: {  	s7 =	simm.s32 $0x0;
	s20 =	sshll.u32 s5, $0x1;
	s5 =	sadd.s32 s21, s3  }
0x9d: {  	[timem:s7], [sflag:s22] =	dma.local [hbm:s5], s20  }
0x9e: {  	_ =	swait.ge [sflag:s22], s20  }
0x9f: {  	s4 =	ssub.s32 $0x0, s20;
	[sflag:s22] =	ssyncset.done $0x0  }
0xa0: {  	[sflag:s22] =	ssyncadd.s32 s4;
	_ =	sdelay $0x1  }
0xa1: {  	s23 =	simm.s32 $0x1B8B  }
0xa2: {  	_ =	swait.ge [sflag:s23], $0x1  }
0xa3: {  	[sflag:s23] =	ssyncset.done $0x0  }
0xa4: {  	s25 =	simm.s32 $0x1B8E;
	s24 =	sld [smem:$0x3FFE];
	[sflag:s23] =	ssyncadd.s32 $0xFFFFFFFF  }
0xa5: {  	s26 =	simm.s32 $execute0_lowered;
	[smem:$0x3FD2] =	sst s25  }
0xa6: {  	s5 =	sshll.u32 s26, $0x1;
	_ =	strace $0x80000046;
	[dreg:$0x1] =	wrdreg $0xFFFFFFFF  }
0xa7: {  	s28 =	simm.s32 $_size_execute0_lowered;
	s3 =	sadd.s32 s3, s5;
	[dreg:$0x0] =	wrdreg $0x0  }
0xa8: {  	s5 =	sshll.u32 s28, $0x1;
	[dreg:$0x2] =	wrdreg s3  }
0xa9: {  	[dreg:$0x3] =	wrdreg s5  }
0xaa: {  	[dreg:$0x4] =	wrdreg $0xC0  }
0xab: {  	_ =	task [dreg:s7], $0x5FFFF  }
0xac: {  	[dreg:$0x1] =	wrdreg $0xFFFFFFFF  }
0xad: {  	[dreg:$0x0] =	wrdreg $0x60  }
0xae: {  	[dreg:$0x2] =	wrdreg s24  }
0xaf: {  	[dreg:$0x3] =	wrdreg s2  }
0xb0: {  	[dreg:$0x4] =	wrdreg $0x9  }
0xb1: {  	_ =	task.clear_ibuf [dreg:s7], $0x5FFFF;
	_ =	strace $0x90000046  }
0xb2: {  	s29 =	simm.s32 $0x9;
	_ =	strace $0x80000048  }
0xb3: {  	_ =	swait.ge [sflag:s29], $0x1  }
0xb4: {  	[sflag:s29] =	ssyncadd.s32 $0xFFFFFFFF  }
0xb5: {  	_ =	strace $0x90000048  }
0xb6: {  	_ =	sfence  }
0xb7: {  	s30 =	sld [smem:$0x0];
	_ =	sdelay $0x2  }
0xb8: {  	s31 =	sshll.u32 s1, $0xD;
	s1 =	sshrl.u32 s1, $0x2  }
0xb9: {  	s3 =	sand.u32 $0x4000, s31;
	s1 =	sadd.s32 s1, s30  }
0xba: {  	s0 =	sor.u32 s3, s0;
	s1 =	sshll.u32 s1, $0x11  }
0xbb: {  	s0 =	sor.u32 s1, s0  }
0xbc: {  	s0 =	sadd.s32 $0x8F2B, s0  }
0xbd: {  	[sflag:s0] =	ssyncadd.remote.s32 $0x1  }
0xbe: {  	_ =	sfence.sel $0xFFFF  }
0xbf: {  	[dreg:$0x0] =	wrdreg $0xFFFFFFFF;
	(pc) =	sbr.abs _section_cstart, $3  }
0xc0: {  	[dreg:$0x1] =	wrdreg $0xFFFFFFFF  }
0xc1: {  	_ =	task.clear_ibuf [dreg:s7], $0x2FFFF;
	_ =	strace $0x9FFFFFFF  }
0xc2: {  	(tm) =	ssettm $0x7FFFFFFF  }
0xc3: {  	_ =	shalt  }
tec
execute0_lowered:
.L_overlay_start_1:
0x0: {  	(tag) =	ssettag $0x1  }
0x1: {  	s5 =	rddreg [dreg:$0x0]  }
0x2: {  	s1 =	srdreg.scid;
	s0 =	stileid.u32  }
0x3: {  	s2 =	rddreg [dreg:$0x1];
	s3 =	simm.s32 $0x0;
	s10 =	simm.s32 $0xC800  }
0x4: {  	s11 =	simm.s32 $0xE780;
	s6 =	sand.u32 $0x1, s1;
	s4 =	sshll.u32 s0, $0x1  }
0x5: {  	s12 =	simm.s32 $0x10780;
	s13 =	simm.s32 $0x1;
	s4 =	sor.u32 s6, s4  }
0x6: {  	s14 =	simm.s32 $0x2;
	s1 =	rddreg [dreg:$0x2];
	s7 =	smul.u32 $0x7D, s4  }
.Ltmp0:
0x7: {  	s15 =	simm.s32 $0x0;
	[smem:$0x7FF] =	sst s3;
	(pc) =	sbr.rel .LBB2_1-.Ltmp0, $4  }
0x8: {  	_ =	strace $0x80000047;
	s6 =	ssub.s32 $0x2, s6;
	s4 =	sadd.s32 $0x1E00, s5  }
0x9: {  	s5 =	sadd.s32 $0x400, s5;
	s8 =	sshrl.u32 s6, $0x1;
	s9 =	sadd.s32 $0x7D, s7  }
0xa: {  	s8 =	ssub.s32 s6, s8;
	s6 =	sshrl.u32 s7, $0x5;
	s7 =	sshrl.u32 s9, $0x5  }
0xb: {  	s8 =	smax.u32 s8, $0x1;
	s9 =	simm.s32 $0x3;
	p0 =	sge.u32 s6, s7  }
.LBB2_9:
0xc: {  	s15 =	sadd.s32 $0x1, s15  }
0xd: {  	_ =	swait.ge [sflag:s13], $0x2000;
	p1 =	sne.s32 s15, s8  }
.Ltmp1:
0xe: {  	[sflag:s13] =	ssyncset.done $0x0;
	(pc) =	sbr.rel @!p1 .LBB2_10-.Ltmp1, $4  }
0xf: {  	[sflag:s13] =	ssyncadd.s32 $0xFFFFE000  }
0x10: {  	_ =	swait.ge [sflag:s14], $0x2000  }
0x11: {  	[sflag:s14] =	ssyncset.done $0x0  }
0x12: {  	[sflag:s14] =	ssyncadd.s32 $0xFFFFE000  }
.LBB2_1:
.Ltmp2:
0x13: {  	(pc) =	sbr.rel @p0 .LBB2_9-.Ltmp2, $4  }
0x14: {  	[tilespmem:s3], [sflag:$0x3] =	stream.linear.gather [hbm4b:s5+s3], $0xC800, $0x38;
	[tilespmem:$0x12780] =	vst v63  }
0x15: {  	_ =	swait.ge [sflag:s9], $0xC800  }
0x16: {  	[sflag:s9] =	ssyncset.done $0x0  }
0x17: {  	s16 =	smov.u32 s6;
	[sflag:s9] =	ssyncadd.s32 $0xFFFF3800  }
.LBB2_2:
0x18: {  	s17 =	smul.u32 $0x3F0, s16;
	_ =	sdelay $0x1  }
0x19: {  	s18 =	sadd.s32 s4, s17;
	s17 =	simm.s32 $0x0  }
0x1a: {  	[tilespmem:s10], [sflag:$0x3] =	stream.linear.gather [hbm4b:s18+s17], $0x1F80, $0x38;
	[tilespmem:$0x12780] =	vst v63  }
0x1b: {  	_ =	swait.ge [sflag:s9], $0x1F80  }
0x1c: {  	s19 =	simm.s32 $0x40;
	s20 =	simm.s32 $0x470;
	[sflag:s9] =	ssyncset.done $0x0  }
0x1d: {  	p1 =	sne.s32 s16, s6;
	s18 =	sshll.u32 s16, $0xD;
	[sflag:s9] =	ssyncadd.s32 $0xFFFFE080  }
.LBB2_3:
0x1e: {  	p2 =	sne.s32 s17, $0x0  }
0x1f: {  	p2 =	por p1, p2  }
0x20: {  	s21 =	simm.s32 @p2 $0x1  }
0x21: {  	_ =	swait.ge @p2 [sflag:s21], $0x2000  }
0x22: {  	[sflag:s21] =	ssyncset.done @p2 $0x0  }
0x23: {  	[sflag:s21] =	ssyncadd.s32 @p2 $0xFFFFE000  }
0x24: {  	v7 =	vld [tilespmem:s19+$0x30]  }
0x25: {  	v5 =	vld [tilespmem:s19+$0xFFFFFFD0]  }
0x26: {  	v4 =	vld [tilespmem:s19+$0xFFFFFFE0]  }
0x27: {  	v3 =	vld [tilespmem:s19+$0xFFFFFFF0]  }
0x28: {  	v2 =	vld [tilespmem:s19+$0x0]  }
0x29: {  	v1 =	vld [tilespmem:s19+$0x10]  }
0x2a: {  	v0 =	vld [tilespmem:s19+$0x20]  }
0x2b: {  	v6 =	vld [tilespmem:s19+$0xFFFFFFC0]  }
0x2c: {  	v8 =	vld.idx.msk [tilespmem:v7+s10+$0x0], $0xffff  }
0x2d: {  	v9 =	vld.idx.msk [tilespmem:v5+s10+$0x0], $0xffff  }
0x2e: {  	v10 =	vld.idx.msk [tilespmem:v4+s10+$0x0], $0xffff  }
0x2f: {  	v11 =	vadd.s32 $0x3F0, v7;
	v12 =	vld.idx.msk [tilespmem:v3+s10+$0x0], $0xffff  }
0x30: {  	v13 =	vadd.s32 $0x3F0, v5;
	v14 =	vld.idx.msk [tilespmem:v2+s10+$0x0], $0xffff  }
0x31: {  	s22 =	simm.s32 $0xE980;
	v15 =	vadd.s32 $0x3F0, v4;
	v16 =	vld.idx.msk [tilespmem:v1+s10+$0x0], $0xffff  }
0x32: {  	v17 =	vadd.s32 $0x3F0, v3;
	v18 =	vld.idx.msk [tilespmem:v0+s10+$0x0], $0xffff;
	[tilespmem:s22+$0xFFFFFE70] =	vst v8  }
0x33: {  	v55 =	vadd.s32 $0x3F0, v1;
	v19 =	vld.idx.msk [tilespmem:v6+s10+$0x0], $0xffff;
	[tilespmem:s22+$0xFFFFFE10] =	vst v9  }
0x34: {  	v58 =	vadd.s32 $0x3F0, v6;
	[tilespmem:s22+$0xFFFFFE20] =	vst v10;
	v54 =	vld.idx.msk [tilespmem:v11+s10+$0x0], $0xffff  }
0x35: {  	v59 =	vadd.s32 $0x3F0, v0;
	[tilespmem:s22+$0xFFFFFE30] =	vst v12;
	v56 =	vld.idx.msk [tilespmem:v13+s10+$0x0], $0xffff  }
0x36: {  	v8 =	vadd.s32 $0x3F0, v2;
	[tilespmem:s22+$0xFFFFFE40] =	vst v14;
	v15 =	vld.idx.msk [tilespmem:v15+s10+$0x0], $0xffff  }
0x37: {  	v57 =	vadd.s32 $0x7E0, v7;
	[tilespmem:s22+$0xFFFFFE50] =	vst v16;
	v17 =	vld.idx.msk [tilespmem:v17+s10+$0x0], $0xffff  }
0x38: {  	v60 =	vadd.s32 $0x7E0, v5;
	[tilespmem:s22+$0xFFFFFE00] =	vst v19;
	v11 =	vld.idx.msk [tilespmem:v55+s10+$0x0], $0xffff  }
0x39: {  	v61 =	vadd.s32 $0x7E0, v4;
	[tilespmem:s22+$0xFFFFFE60] =	vst v18;
	v13 =	vld.idx.msk [tilespmem:v58+s10+$0x0], $0xffff  }
0x3a: {  	v62 =	vadd.s32 $0x7E0, v3;
	v21 =	vld.idx.msk [tilespmem:v59+s10+$0x0], $0xffff;
	[tilespmem:s22+$0xFFFFFEF0] =	vst v54  }
0x3b: {  	v23 =	vadd.s32 $0x7E0, v6;
	v8 =	vld.idx.msk [tilespmem:v8+s10+$0x0], $0xffff;
	[tilespmem:s22+$0xFFFFFE90] =	vst v56  }
0x3c: {  	v24 =	vadd.s32 $0x7E0, v1;
	[tilespmem:s22+$0xFFFFFEA0] =	vst v15;
	v12 =	vld.idx.msk [tilespmem:v57+s10+$0x0], $0xffff  }
0x3d: {  	v63 =	vadd.s32 $0x7E0, v2;
	[tilespmem:s22+$0xFFFFFEB0] =	vst v17;
	v16 =	vld.idx.msk [tilespmem:v60+s10+$0x0], $0xffff  }
0x3e: {  	v22 =	vadd.s32 $0xBD0, v7;
	[tilespmem:s22+$0xFFFFFED0] =	vst v11;
	v18 =	vld.idx.msk [tilespmem:v61+s10+$0x0], $0xffff  }
0x3f: {  	v25 =	vadd.s32 $0xBD0, v5;
	[tilespmem:s22+$0xFFFFFE80] =	vst v13;
	v9 =	vld.idx.msk [tilespmem:v62+s10+$0x0], $0xffff  }
0x40: {  	v26 =	vadd.s32 $0xBD0, v4;
	[tilespmem:s22+$0xFFFFFEE0] =	vst v21;
	v15 =	vld.idx.msk [tilespmem:v23+s10+$0x0], $0xffff  }
0x41: {  	v28 =	vadd.s32 $0xBD0, v3;
	v29 =	vld.idx.msk [tilespmem:v24+s10+$0x0], $0xffff;
	[tilespmem:s22+$0xFFFFFEC0] =	vst v8  }
0x42: {  	v31 =	vadd.s32 $0xBD0, v6;
	v19 =	vld.idx.msk [tilespmem:v63+s10+$0x0], $0xffff;
	[tilespmem:s22+$0xFFFFFF70] =	vst v12  }
0x43: {  	v33 =	vadd.s32 $0xBD0, v1;
	[tilespmem:s22+$0xFFFFFF10] =	vst v16;
	v27 =	vld.idx.msk [tilespmem:v22+s10+$0x0], $0xffff  }
0x44: {  	v8 =	vadd.s32 $0x7E0, v0;
	[tilespmem:s22+$0xFFFFFF20] =	vst v18;
	v11 =	vld.idx.msk [tilespmem:v25+s10+$0x0], $0xffff  }
0x45: {  	v32 =	vadd.s32 $0xBD0, v2;
	[tilespmem:s22+$0xFFFFFF30] =	vst v9;
	v12 =	vld.idx.msk [tilespmem:v26+s10+$0x0], $0xffff  }
0x46: {  	v30 =	vadd.s32 $0xFC0, v7;
	[tilespmem:s22+$0xFFFFFF00] =	vst v15;
	v14 =	vld.idx.msk [tilespmem:v28+s10+$0x0], $0xffff  }
0x47: {  	v35 =	vadd.s32 $0xFC0, v5;
	[tilespmem:s22+$0xFFFFFF50] =	vst v29;
	v17 =	vld.idx.msk [tilespmem:v31+s10+$0x0], $0xffff  }
0x48: {  	v37 =	vadd.s32 $0xFC0, v4;
	v9 =	vld.idx.msk [tilespmem:v33+s10+$0x0], $0xffff;
	[tilespmem:s22+$0xFFFFFF40] =	vst v19  }
0x49: {  	v39 =	vadd.s32 $0xFC0, v6;
	v8 =	vld.idx.msk [tilespmem:v8+s10+$0x0], $0xffff;
	[tilespmem:s22+$0xFFFFFFF0] =	vst v27  }
0x4a: {  	v40 =	vadd.s32 $0xFC0, v3;
	v38 =	vld.idx.msk [tilespmem:v32+s10+$0x0], $0xffff;
	[tilespmem:s22+$0xFFFFFF90] =	vst v11  }
0x4b: {  	v43 =	vadd.s32 $0xFC0, v1;
	[tilespmem:s22+$0xFFFFFFA0] =	vst v12;
	v36 =	vld.idx.msk [tilespmem:v30+s10+$0x0], $0xffff  }
0x4c: {  	v34 =	vadd.s32 $0xBD0, v0;
	[tilespmem:s22+$0xFFFFFFB0] =	vst v14;
	v13 =	vld.idx.msk [tilespmem:v35+s10+$0x0], $0xffff  }
0x4d: {  	v42 =	vadd.s32 $0xFC0, v2;
	[tilespmem:s22+$0xFFFFFF80] =	vst v17;
	v16 =	vld.idx.msk [tilespmem:v37+s10+$0x0], $0xffff  }
0x4e: {  	v18 =	vld.idx.msk [tilespmem:v39+s10+$0x0], $0xffff;
	[tilespmem:s22+$0xFFFFFF60] =	vst v8;
	v8 =	vadd.s32 $0x13B0, v7  }
0x4f: {  	v45 =	vadd.s32 $0x13B0, v5;
	[tilespmem:s22+$0xFFFFFFD0] =	vst v9;
	v46 =	vld.idx.msk [tilespmem:v40+s10+$0x0], $0xffff  }
0x50: {  	v48 =	vadd.s32 $0x13B0, v6;
	v50 =	vld.idx.msk [tilespmem:v43+s10+$0x0], $0xffff;
	[tilespmem:s22+$0xFFFFFFC0] =	vst v38  }
0x51: {  	v49 =	vadd.s32 $0x13B0, v4;
	v41 =	vld.idx.msk [tilespmem:v34+s10+$0x0], $0xffff;
	[tilespmem:s22+$0x70] =	vst v36  }
0x52: {  	v44 =	vadd.s32 $0xFC0, v0;
	v19 =	vld.idx.msk [tilespmem:v42+s10+$0x0], $0xffff;
	[tilespmem:s22+$0x10] =	vst v13  }
0x53: {  	v51 =	vadd.s32 $0x13B0, v3;
	[tilespmem:s22+$0x20] =	vst v16;
	v8 =	vld.idx.msk [tilespmem:v8+s10+$0x0], $0xffff  }
0x54: {  	v47 =	vadd.s32 $0x17A0, v7;
	[tilespmem:s22+$0x0] =	vst v18;
	v17 =	vld.idx.msk [tilespmem:v45+s10+$0x0], $0xffff  }
0x55: {  	v52 =	vadd.s32 $0x13B0, v2;
	[tilespmem:s22+$0x30] =	vst v46;
	v11 =	vld.idx.msk [tilespmem:v48+s10+$0x0], $0xffff  }
0x56: {  	v55 =	vadd.s32 $0x17A0, v6;
	v54 =	vld.idx.msk [tilespmem:v49+s10+$0x0], $0xffff;
	[tilespmem:s22+$0xFFFFFFE0] =	vst v41  }
0x57: {  	v56 =	vadd.s32 $0x17A0, v5;
	[tilespmem:s22+$0x50] =	vst v50;
	v15 =	vld.idx.msk [tilespmem:v44+s10+$0x0], $0xffff  }
0x58: {  	v53 =	vadd.s32 $0x13B0, v0;
	v14 =	vld.idx.msk [tilespmem:v51+s10+$0x0], $0xffff;
	[tilespmem:s22+$0xF0] =	vst v8  }
0x59: {  	[tilespmem:s22+$0x40] =	vst v19;
	v8 =	vadd.s32 $0x13B0, v1;
	v9 =	vld.idx.msk [tilespmem:v47+s10+$0x0], $0xffff  }
0x5a: {  	v7 =	vadd.s32 $0x1B90, v7;
	v16 =	vld.idx.msk [tilespmem:v52+s10+$0x0], $0xffff;
	[tilespmem:s22+$0x80] =	vst v11  }
0x5b: {  	v57 =	vadd.s32 $0x17A0, v4;
	[tilespmem:s22+$0x90] =	vst v17;
	v12 =	vld.idx.msk [tilespmem:v55+s10+$0x0], $0xffff  }
0x5c: {  	v58 =	vadd.s32 $0x17A0, v3;
	v13 =	vld.idx.msk [tilespmem:v56+s10+$0x0], $0xffff;
	[tilespmem:s22+$0x60] =	vst v15  }
0x5d: {  	v59 =	vadd.s32 $0x17A0, v2;
	[tilespmem:s22+$0xA0] =	vst v54;
	v18 =	vld.idx.msk [tilespmem:v53+s10+$0x0], $0xffff  }
0x5e: {  	v6 =	vadd.s32 $0x1B90, v6;
	v8 =	vld.idx.msk [tilespmem:v8+s10+$0x0], $0xffff;
	[tilespmem:s22+$0x170] =	vst v9  }
0x5f: {  	v60 =	vadd.s32 $0x17A0, v1;
	[tilespmem:s22+$0xB0] =	vst v14;
	v7 =	vld.idx.msk [tilespmem:v7+s10+$0x0], $0xffff  }
0x60: {  	v61 =	vadd.s32 $0x17A0, v0;
	v62 =	vld.idx.msk [tilespmem:v57+s10+$0x0], $0xffff;
	[tilespmem:s22+$0xC0] =	vst v16  }
0x61: {  	v5 =	vadd.s32 $0x1B90, v5;
	v63 =	vld.idx.msk [tilespmem:v58+s10+$0x0], $0xffff;
	[tilespmem:s22+$0x100] =	vst v12  }
0x62: {  	v3 =	vadd.s32 $0x1B90, v3;
	v9 =	vld.idx.msk [tilespmem:v59+s10+$0x0], $0xffff;
	[tilespmem:s22+$0xE0] =	vst v18  }
0x63: {  	v12 =	vld.idx.msk [tilespmem:v6+s10+$0x0], $0xffff;
	[tilespmem:s22+$0xD0] =	vst v8;
	v8 =	vadd.s32 $0x1B90, v4  }
0x64: {  	v11 =	vld.idx.msk [tilespmem:v60+s10+$0x0], $0xffff;
	[tilespmem:s22+$0x1F0] =	vst v7;
	v7 =	vadd.s32 $0x1B90, v2  }
0x65: {  	v1 =	vadd.s32 $0x1B90, v1;
	[tilespmem:s22+$0x110] =	vst v13;
	v10 =	vld.idx.msk [tilespmem:v61+s10+$0x0], $0xffff  }
0x66: {  	v0 =	vadd.s32 $0x1B90, v0;
	[tilespmem:s22+$0x130] =	vst v63;
	v4 =	vld.idx.msk [tilespmem:v5+s10+$0x0], $0xffff  }
0x67: {  	[tilespmem:s22+$0x120] =	vst v62;
	v2 =	vld.idx.msk [tilespmem:v3+s10+$0x0], $0xffff  }
0x68: {  	[tilespmem:s22+$0x140] =	vst v9;
	v5 =	vld.idx.msk [tilespmem:v8+s10+$0x0], $0xffff  }
0x69: {  	[tilespmem:s22+$0x150] =	vst v11;
	v6 =	vld.idx.msk [tilespmem:v7+s10+$0x0], $0xffff  }
0x6a: {  	[tilespmem:s22+$0x160] =	vst v10;
	v3 =	vld.idx.msk [tilespmem:v1+s10+$0x0], $0xffff  }
0x6b: {  	s23 =	simm.s32 $0x0;
	s24 =	sadd.s32 $0x80, s19;
	s21 =	sshll.u32 s17, $0x1;
	[tilespmem:s22+$0x180] =	vst v12;
	v1 =	vld.idx.msk [tilespmem:v0+s10+$0x0], $0xffff  }
.LBB2_4:
0x6c: {  	v0 =	vld [tilespmem:s24+$0x30];
	s23 =	sadd.s32 $0x8, s23;
	[tilespmem:s22+$0x190] =	vst v4  }
0x6d: {  	v7 =	vld [tilespmem:s24+$0xFFFFFFD0];
	p3 =	slt.u32 s23, $0x38;
	[tilespmem:s22+$0x1A0] =	vst v5  }
0x6e: {  	v5 =	vld [tilespmem:s24+$0xFFFFFFE0];
	[tilespmem:s22+$0x1B0] =	vst v2  }
0x6f: {  	v2 =	vld [tilespmem:s24+$0xFFFFFFF0];
	[tilespmem:s22+$0x1C0] =	vst v6  }
0x70: {  	v6 =	vld [tilespmem:s24+$0x0];
	[tilespmem:s22+$0x1D0] =	vst v3  }
0x71: {  	v3 =	vld [tilespmem:s24+$0x10];
	[tilespmem:s22+$0x1E0] =	vst v1  }
0x72: {  	v1 =	vadd.s32 $0x3F0, v7;
	v21 =	vadd.s32 $0x7E0, v7;
	v22 =	vadd.s32 $0xBD0, v7;
	v23 =	vld [tilespmem:s24+$0x20]  }
0x73: {  	v4 =	vld [tilespmem:s24+$0xFFFFFFC0];
	v8 =	vadd.s32 $0x3F0, v5;
	v24 =	vadd.s32 $0x7E0, v5;
	v25 =	vadd.s32 $0xBD0, v5  }
0x74: {  	v9 =	vadd.s32 $0x3F0, v2;
	v26 =	vadd.s32 $0x7E0, v2;
	v27 =	vadd.s32 $0xBD0, v2;
	v10 =	vld.idx.msk [tilespmem:v0+s10+$0x0], $0xffff  }
0x75: {  	v11 =	vld.idx.msk [tilespmem:v7+s10+$0x0], $0xffff;
	v12 =	vadd.s32 $0x3F0, v6;
	v28 =	vadd.s32 $0x7E0, v6;
	v29 =	vadd.s32 $0xBD0, v6  }
0x76: {  	v14 =	vadd.s32 $0x3F0, v0;
	v13 =	vld.idx.msk [tilespmem:v5+s10+$0x0], $0xffff;
	v30 =	vadd.s32 $0x3F0, v3;
	v31 =	vadd.s32 $0x7E0, v3  }
0x77: {  	v32 =	vadd.s32 $0xBD0, v3;
	v16 =	vld.idx.msk [tilespmem:v2+s10+$0x0], $0xffff;
	v33 =	vadd.s32 $0x3F0, v23;
	v34 =	vadd.s32 $0x7E0, v23  }
0x78: {  	v35 =	vadd.s32 $0x3F0, v4;
	v36 =	vadd.s32 $0x7E0, v4;
	v37 =	vadd.s32 $0xBD0, v4;
	v20 =	vld.idx.msk [tilespmem:v6+s10+$0x0], $0xffff  }
0x79: {  	s22 =	sadd.s32 $0x400, s22;
	v39 =	vadd.s32 $0xFC0, v7;
	v41 =	vadd.s32 $0xBD0, v23;
	v38 =	vadd.s32 $0xFC0, v4;
	v40 =	vld.idx.msk [tilespmem:v3+s10+$0x0], $0xffff  }
0x7a: {  	v42 =	vadd.s32 $0xFC0, v5;
	v43 =	vadd.s32 $0xFC0, v2;
	v44 =	vadd.s32 $0xFC0, v6;
	v45 =	vld.idx.msk [tilespmem:v23+s10+$0x0], $0xffff;
	[tilespmem:s22+$0xFFFFFE70] =	vst v10  }
0x7b: {  	v46 =	vadd.s32 $0xFC0, v3;
	v47 =	vadd.s32 $0xFC0, v23;
	v15 =	vadd.s32 $0x13B0, v4;
	[tilespmem:s22+$0xFFFFFE10] =	vst v11;
	v48 =	vld.idx.msk [tilespmem:v14+s10+$0x0], $0xffff  }
0x7c: {  	v50 =	vadd.s32 $0x13B0, v7;
	v19 =	vadd.s32 $0x13B0, v5;
	v17 =	vadd.s32 $0x13B0, v2;
	v49 =	vld.idx.msk [tilespmem:v4+s10+$0x0], $0xffff;
	[tilespmem:s22+$0xFFFFFE20] =	vst v13  }
0x7d: {  	v52 =	vadd.s32 $0x7E0, v0;
	v18 =	vadd.s32 $0x13B0, v6;
	v51 =	vld.idx.msk [tilespmem:v1+s10+$0x0], $0xffff;
	[tilespmem:s22+$0xFFFFFE30] =	vst v16;
	v16 =	vadd.s32 $0x13B0, v3  }
0x7e: {  	v10 =	vadd.s32 $0x17A0, v7;
	v13 =	vadd.s32 $0x17A0, v4;
	v53 =	vld.idx.msk [tilespmem:v8+s10+$0x0], $0xffff;
	[tilespmem:s22+$0xFFFFFE40] =	vst v20;
	v20 =	vadd.s32 $0x13B0, v23  }
0x7f: {  	v14 =	vadd.s32 $0x17A0, v5;
	v11 =	vadd.s32 $0x17A0, v2;
	v8 =	vadd.s32 $0x17A0, v6;
	v54 =	vld.idx.msk [tilespmem:v9+s10+$0x0], $0xffff;
	[tilespmem:s22+$0xFFFFFE50] =	vst v40  }
0x80: {  	v4 =	vadd.s32 $0x1B90, v4;
	v9 =	vadd.s32 $0x17A0, v23;
	v40 =	vld.idx.msk [tilespmem:v12+s10+$0x0], $0xffff;
	v12 =	vadd.s32 $0x17A0, v3;
	[tilespmem:s22+$0xFFFFFE60] =	vst v45  }
0x81: {  	v7 =	vadd.s32 $0x1B90, v7;
	v5 =	vadd.s32 $0x1B90, v5;
	v2 =	vadd.s32 $0x1B90, v2;
	v30 =	vld.idx.msk [tilespmem:v30+s10+$0x0], $0xffff;
	[tilespmem:s22+$0xFFFFFEF0] =	vst v48  }
0x82: {  	v1 =	vadd.s32 $0x1B90, v23;
	v6 =	vadd.s32 $0x1B90, v6;
	v3 =	vadd.s32 $0x1B90, v3;
	[tilespmem:s22+$0xFFFFFE00] =	vst v49;
	v23 =	vld.idx.msk [tilespmem:v52+s10+$0x0], $0xffff  }
0x83: {  	v35 =	vld.idx.msk [tilespmem:v35+s10+$0x0], $0xffff;
	[tilespmem:s22+$0xFFFFFE90] =	vst v51  }
0x84: {  	v45 =	vadd.s32 $0xBD0, v0;
	[tilespmem:s22+$0xFFFFFEA0] =	vst v53;
	v33 =	vld.idx.msk [tilespmem:v33+s10+$0x0], $0xffff  }
0x85: {  	v21 =	vld.idx.msk [tilespmem:v21+s10+$0x0], $0xffff;
	[tilespmem:s22+$0xFFFFFEB0] =	vst v54  }
0x86: {  	v24 =	vld.idx.msk [tilespmem:v24+s10+$0x0], $0xffff;
	[tilespmem:s22+$0xFFFFFEC0] =	vst v40  }
0x87: {  	v26 =	vld.idx.msk [tilespmem:v26+s10+$0x0], $0xffff;
	[tilespmem:s22+$0xFFFFFED0] =	vst v30  }
0x88: {  	v28 =	vld.idx.msk [tilespmem:v28+s10+$0x0], $0xffff;
	[tilespmem:s22+$0xFFFFFF70] =	vst v23  }
0x89: {  	[tilespmem:s22+$0xFFFFFE80] =	vst v35;
	v23 =	vld.idx.msk [tilespmem:v45+s10+$0x0], $0xffff  }
0x8a: {  	v30 =	vld.idx.msk [tilespmem:v36+s10+$0x0], $0xffff;
	[tilespmem:s22+$0xFFFFFEE0] =	vst v33  }
0x8b: {  	[tilespmem:s22+$0xFFFFFF10] =	vst v21;
	v21 =	vld.idx.msk [tilespmem:v31+s10+$0x0], $0xffff;
	v31 =	vadd.s32 $0xFC0, v0  }
0x8c: {  	[tilespmem:s22+$0xFFFFFF20] =	vst v24;
	v24 =	vld.idx.msk [tilespmem:v34+s10+$0x0], $0xffff  }
0x8d: {  	v22 =	vld.idx.msk [tilespmem:v22+s10+$0x0], $0xffff;
	[tilespmem:s22+$0xFFFFFF30] =	vst v26  }
0x8e: {  	v25 =	vld.idx.msk [tilespmem:v25+s10+$0x0], $0xffff;
	[tilespmem:s22+$0xFFFFFF40] =	vst v28  }
0x8f: {  	v26 =	vld.idx.msk [tilespmem:v27+s10+$0x0], $0xffff;
	[tilespmem:s22+$0xFFFFFFF0] =	vst v23  }
0x90: {  	[tilespmem:s22+$0xFFFFFF00] =	vst v30;
	v23 =	vld.idx.msk [tilespmem:v31+s10+$0x0], $0xffff  }
0x91: {  	v27 =	vld.idx.msk [tilespmem:v37+s10+$0x0], $0xffff;
	[tilespmem:s22+$0xFFFFFF50] =	vst v21  }
0x92: {  	v21 =	vld.idx.msk [tilespmem:v29+s10+$0x0], $0xffff;
	[tilespmem:s22+$0xFFFFFF60] =	vst v24;
	v24 =	vadd.s32 $0x13B0, v0  }
0x93: {  	[tilespmem:s22+$0xFFFFFF90] =	vst v22;
	v22 =	vld.idx.msk [tilespmem:v32+s10+$0x0], $0xffff  }
0x94: {  	[tilespmem:s22+$0xFFFFFFA0] =	vst v25;
	v25 =	vld.idx.msk [tilespmem:v41+s10+$0x0], $0xffff  }
0x95: {  	v28 =	vld.idx.msk [tilespmem:v39+s10+$0x0], $0xffff;
	[tilespmem:s22+$0xFFFFFFB0] =	vst v26  }
0x96: {  	v26 =	vld.idx.msk [tilespmem:v42+s10+$0x0], $0xffff;
	[tilespmem:s22+$0x70] =	vst v23  }
0x97: {  	[tilespmem:s22+$0xFFFFFF80] =	vst v27;
	v23 =	vld.idx.msk [tilespmem:v24+s10+$0x0], $0xffff  }
0x98: {  	v24 =	vld.idx.msk [tilespmem:v38+s10+$0x0], $0xffff;
	[tilespmem:s22+$0xFFFFFFC0] =	vst v21  }
0x99: {  	v21 =	vld.idx.msk [tilespmem:v43+s10+$0x0], $0xffff;
	[tilespmem:s22+$0xFFFFFFD0] =	vst v22;
	v22 =	vadd.s32 $0x17A0, v0  }
0x9a: {  	v27 =	vld.idx.msk [tilespmem:v44+s10+$0x0], $0xffff;
	[tilespmem:s22+$0xFFFFFFE0] =	vst v25  }
0x9b: {  	[tilespmem:s22+$0x10] =	vst v28;
	v25 =	vld.idx.msk [tilespmem:v46+s10+$0x0], $0xffff  }
0x9c: {  	[tilespmem:s22+$0x20] =	vst v26;
	v26 =	vld.idx.msk [tilespmem:v47+s10+$0x0], $0xffff  }
0x9d: {  	v28 =	vld.idx.msk [tilespmem:v50+s10+$0x0], $0xffff;
	[tilespmem:s22+$0xF0] =	vst v23  }
0x9e: {  	[tilespmem:s22+$0x0] =	vst v24;
	v22 =	vld.idx.msk [tilespmem:v22+s10+$0x0], $0xffff  }
0x9f: {  	v15 =	vld.idx.msk [tilespmem:v15+s10+$0x0], $0xffff;
	[tilespmem:s22+$0x30] =	vst v21  }
0xa0: {  	v0 =	vadd.s32 $0x1B90, v0;
	v19 =	vld.idx.msk [tilespmem:v19+s10+$0x0], $0xffff;
	[tilespmem:s22+$0x40] =	vst v27  }
0xa1: {  	v17 =	vld.idx.msk [tilespmem:v17+s10+$0x0], $0xffff;
	[tilespmem:s22+$0x50] =	vst v25  }
0xa2: {  	v18 =	vld.idx.msk [tilespmem:v18+s10+$0x0], $0xffff;
	[tilespmem:s22+$0x60] =	vst v26  }
0xa3: {  	[tilespmem:s22+$0x90] =	vst v28;
	v16 =	vld.idx.msk [tilespmem:v16+s10+$0x0], $0xffff  }
0xa4: {  	v20 =	vld.idx.msk [tilespmem:v20+s10+$0x0], $0xffff;
	[tilespmem:s22+$0x170] =	vst v22  }
0xa5: {  	[tilespmem:s22+$0x80] =	vst v15;
	v0 =	vld.idx.msk [tilespmem:v0+s10+$0x0], $0xffff  }
0xa6: {  	v13 =	vld.idx.msk [tilespmem:v13+s10+$0x0], $0xffff;
	[tilespmem:s22+$0xA0] =	vst v19  }
0xa7: {  	v10 =	vld.idx.msk [tilespmem:v10+s10+$0x0], $0xffff;
	[tilespmem:s22+$0xB0] =	vst v17  }
0xa8: {  	v14 =	vld.idx.msk [tilespmem:v14+s10+$0x0], $0xffff;
	[tilespmem:s22+$0xC0] =	vst v18  }
0xa9: {  	v11 =	vld.idx.msk [tilespmem:v11+s10+$0x0], $0xffff;
	[tilespmem:s22+$0xD0] =	vst v16  }
0xaa: {  	v8 =	vld.idx.msk [tilespmem:v8+s10+$0x0], $0xffff;
	[tilespmem:s22+$0xE0] =	vst v20  }
0xab: {  	v12 =	vld.idx.msk [tilespmem:v12+s10+$0x0], $0xffff;
	[tilespmem:s22+$0x1F0] =	vst v0  }
0xac: {  	[tilespmem:s22+$0x100] =	vst v13;
	v0 =	vld.idx.msk [tilespmem:v9+s10+$0x0], $0xffff  }
0xad: {  	v9 =	vld.idx.msk [tilespmem:v4+s10+$0x0], $0xffff;
	[tilespmem:s22+$0x110] =	vst v10  }
0xae: {  	v4 =	vld.idx.msk [tilespmem:v7+s10+$0x0], $0xffff;
	[tilespmem:s22+$0x120] =	vst v14  }
.Ltmp3:
0xaf: {  	v5 =	vld.idx.msk [tilespmem:v5+s10+$0x0], $0xffff;
	[tilespmem:s22+$0x130] =	vst v11;
	(pc) =	sbr.rel @p3 .LBB2_4-.Ltmp3, $4  }
0xb0: {  	v2 =	vld.idx.msk [tilespmem:v2+s10+$0x0], $0xffff;
	[tilespmem:s22+$0x140] =	vst v8  }
0xb1: {  	v6 =	vld.idx.msk [tilespmem:v6+s10+$0x0], $0xffff;
	[tilespmem:s22+$0x150] =	vst v12  }
0xb2: {  	v3 =	vld.idx.msk [tilespmem:v3+s10+$0x0], $0xffff;
	[tilespmem:s22+$0x160] =	vst v0  }
0xb3: {  	s24 =	sadd.s32 $0x80, s24;
	[tilespmem:s22+$0x180] =	vst v9;
	v1 =	vld.idx.msk [tilespmem:v1+s10+$0x0], $0xffff  }
0xb4: {  	[tilespmem:s22+$0x190] =	vst v4  }
0xb5: {  	[tilespmem:s22+$0x1A0] =	vst v5;
	s23 =	smul.u32 $0x1F4000, s17  }
0xb6: {  	[tilespmem:s22+$0x1B0] =	vst v2  }
0xb7: {  	[tilespmem:s22+$0x1C0] =	vst v6;
	s23 =	sadd.s32 s18, s23  }
0xb8: {  	[tilespmem:s22+$0x1D0] =	vst v3;
	s23 =	sshrl.u32 s23, $0x3  }
0xb9: {  	[tilespmem:s22+$0x1E0] =	vst v1;
	s31 =	sadd.s32 s2, s23;
	s22 =	simm.s32 @p2 $0x2  }
0xba: {  	[hbm4b:s31+s3] =	stream.linear.scatter [tilespmem:s11], [sflag:$0x1], $0x2000, $0x38;
	[tilespmem:$0x12780] =	vst v63  }
0xbb: {  	_ =	swait.ge @p2 [sflag:s22], $0x2000  }
0xbc: {  	[sflag:s22] =	ssyncset.done @p2 $0x0  }
0xbd: {  	[sflag:s22] =	ssyncadd.s32 @p2 $0xFFFFE000  }
0xbe: {  	v7 =	vld [tilespmem:s20+$0x0]  }
0xbf: {  	v5 =	vld [tilespmem:s20+$0xFFFFFFA0]  }
0xc0: {  	v4 =	vld [tilespmem:s20+$0xFFFFFFB0]  }
0xc1: {  	v3 =	vld [tilespmem:s20+$0xFFFFFFC0]  }
0xc2: {  	v2 =	vld [tilespmem:s20+$0xFFFFFFD0]  }
0xc3: {  	v1 =	vld [tilespmem:s20+$0xFFFFFFE0]  }
0xc4: {  	v0 =	vld [tilespmem:s20+$0xFFFFFFF0]  }
0xc5: {  	v6 =	vld [tilespmem:s20+$0xFFFFFF90]  }
0xc6: {  	v8 =	vld.idx.msk [tilespmem:v7+s10+$0x0], $0xffff  }
0xc7: {  	v9 =	vld.idx.msk [tilespmem:v5+s10+$0x0], $0xffff  }
0xc8: {  	v10 =	vld.idx.msk [tilespmem:v4+s10+$0x0], $0xffff  }
0xc9: {  	v11 =	vadd.s32 $0x3F0, v7;
	v12 =	vld.idx.msk [tilespmem:v3+s10+$0x0], $0xffff  }
0xca: {  	v13 =	vadd.s32 $0x3F0, v5;
	v14 =	vld.idx.msk [tilespmem:v2+s10+$0x0], $0xffff  }
0xcb: {  	s22 =	simm.s32 $0x10980;
	v15 =	vadd.s32 $0x3F0, v4;
	v16 =	vld.idx.msk [tilespmem:v1+s10+$0x0], $0xffff  }
0xcc: {  	v17 =	vadd.s32 $0x3F0, v3;
	v18 =	vld.idx.msk [tilespmem:v0+s10+$0x0], $0xffff;
	[tilespmem:s22+$0xFFFFFE70] =	vst v8  }
0xcd: {  	v55 =	vadd.s32 $0x3F0, v1;
	v19 =	vld.idx.msk [tilespmem:v6+s10+$0x0], $0xffff;
	[tilespmem:s22+$0xFFFFFE10] =	vst v9  }
0xce: {  	v58 =	vadd.s32 $0x3F0, v6;
	[tilespmem:s22+$0xFFFFFE20] =	vst v10;
	v54 =	vld.idx.msk [tilespmem:v11+s10+$0x0], $0xffff  }
0xcf: {  	v59 =	vadd.s32 $0x3F0, v0;
	[tilespmem:s22+$0xFFFFFE30] =	vst v12;
	v56 =	vld.idx.msk [tilespmem:v13+s10+$0x0], $0xffff  }
0xd0: {  	v8 =	vadd.s32 $0x3F0, v2;
	[tilespmem:s22+$0xFFFFFE40] =	vst v14;
	v15 =	vld.idx.msk [tilespmem:v15+s10+$0x0], $0xffff  }
0xd1: {  	v57 =	vadd.s32 $0x7E0, v7;
	[tilespmem:s22+$0xFFFFFE50] =	vst v16;
	v17 =	vld.idx.msk [tilespmem:v17+s10+$0x0], $0xffff  }
0xd2: {  	v60 =	vadd.s32 $0x7E0, v5;
	[tilespmem:s22+$0xFFFFFE00] =	vst v19;
	v11 =	vld.idx.msk [tilespmem:v55+s10+$0x0], $0xffff  }
0xd3: {  	v61 =	vadd.s32 $0x7E0, v4;
	[tilespmem:s22+$0xFFFFFE60] =	vst v18;
	v13 =	vld.idx.msk [tilespmem:v58+s10+$0x0], $0xffff  }
0xd4: {  	v62 =	vadd.s32 $0x7E0, v3;
	v21 =	vld.idx.msk [tilespmem:v59+s10+$0x0], $0xffff;
	[tilespmem:s22+$0xFFFFFEF0] =	vst v54  }
0xd5: {  	v23 =	vadd.s32 $0x7E0, v6;
	v8 =	vld.idx.msk [tilespmem:v8+s10+$0x0], $0xffff;
	[tilespmem:s22+$0xFFFFFE90] =	vst v56  }
0xd6: {  	v24 =	vadd.s32 $0x7E0, v1;
	[tilespmem:s22+$0xFFFFFEA0] =	vst v15;
	v12 =	vld.idx.msk [tilespmem:v57+s10+$0x0], $0xffff  }
0xd7: {  	v63 =	vadd.s32 $0x7E0, v2;
	[tilespmem:s22+$0xFFFFFEB0] =	vst v17;
	v16 =	vld.idx.msk [tilespmem:v60+s10+$0x0], $0xffff  }
0xd8: {  	v22 =	vadd.s32 $0xBD0, v7;
	[tilespmem:s22+$0xFFFFFED0] =	vst v11;
	v18 =	vld.idx.msk [tilespmem:v61+s10+$0x0], $0xffff  }
0xd9: {  	v25 =	vadd.s32 $0xBD0, v5;
	[tilespmem:s22+$0xFFFFFE80] =	vst v13;
	v9 =	vld.idx.msk [tilespmem:v62+s10+$0x0], $0xffff  }
0xda: {  	v26 =	vadd.s32 $0xBD0, v4;
	[tilespmem:s22+$0xFFFFFEE0] =	vst v21;
	v15 =	vld.idx.msk [tilespmem:v23+s10+$0x0], $0xffff  }
0xdb: {  	v28 =	vadd.s32 $0xBD0, v3;
	v29 =	vld.idx.msk [tilespmem:v24+s10+$0x0], $0xffff;
	[tilespmem:s22+$0xFFFFFEC0] =	vst v8  }
0xdc: {  	v31 =	vadd.s32 $0xBD0, v6;
	v19 =	vld.idx.msk [tilespmem:v63+s10+$0x0], $0xffff;
	[tilespmem:s22+$0xFFFFFF70] =	vst v12  }
0xdd: {  	v33 =	vadd.s32 $0xBD0, v1;
	[tilespmem:s22+$0xFFFFFF10] =	vst v16;
	v27 =	vld.idx.msk [tilespmem:v22+s10+$0x0], $0xffff  }
0xde: {  	v8 =	vadd.s32 $0x7E0, v0;
	[tilespmem:s22+$0xFFFFFF20] =	vst v18;
	v11 =	vld.idx.msk [tilespmem:v25+s10+$0x0], $0xffff  }
0xdf: {  	v32 =	vadd.s32 $0xBD0, v2;
	[tilespmem:s22+$0xFFFFFF30] =	vst v9;
	v12 =	vld.idx.msk [tilespmem:v26+s10+$0x0], $0xffff  }
0xe0: {  	v30 =	vadd.s32 $0xFC0, v7;
	[tilespmem:s22+$0xFFFFFF00] =	vst v15;
	v14 =	vld.idx.msk [tilespmem:v28+s10+$0x0], $0xffff  }
0xe1: {  	v35 =	vadd.s32 $0xFC0, v5;
	[tilespmem:s22+$0xFFFFFF50] =	vst v29;
	v17 =	vld.idx.msk [tilespmem:v31+s10+$0x0], $0xffff  }
0xe2: {  	v37 =	vadd.s32 $0xFC0, v4;
	v9 =	vld.idx.msk [tilespmem:v33+s10+$0x0], $0xffff;
	[tilespmem:s22+$0xFFFFFF40] =	vst v19  }
0xe3: {  	v39 =	vadd.s32 $0xFC0, v6;
	v8 =	vld.idx.msk [tilespmem:v8+s10+$0x0], $0xffff;
	[tilespmem:s22+$0xFFFFFFF0] =	vst v27  }
0xe4: {  	v40 =	vadd.s32 $0xFC0, v3;
	v38 =	vld.idx.msk [tilespmem:v32+s10+$0x0], $0xffff;
	[tilespmem:s22+$0xFFFFFF90] =	vst v11  }
0xe5: {  	v43 =	vadd.s32 $0xFC0, v1;
	[tilespmem:s22+$0xFFFFFFA0] =	vst v12;
	v36 =	vld.idx.msk [tilespmem:v30+s10+$0x0], $0xffff  }
0xe6: {  	v34 =	vadd.s32 $0xBD0, v0;
	[tilespmem:s22+$0xFFFFFFB0] =	vst v14;
	v13 =	vld.idx.msk [tilespmem:v35+s10+$0x0], $0xffff  }
0xe7: {  	v42 =	vadd.s32 $0xFC0, v2;
	[tilespmem:s22+$0xFFFFFF80] =	vst v17;
	v16 =	vld.idx.msk [tilespmem:v37+s10+$0x0], $0xffff  }
0xe8: {  	v18 =	vld.idx.msk [tilespmem:v39+s10+$0x0], $0xffff;
	[tilespmem:s22+$0xFFFFFF60] =	vst v8;
	v8 =	vadd.s32 $0x13B0, v7  }
0xe9: {  	v45 =	vadd.s32 $0x13B0, v5;
	[tilespmem:s22+$0xFFFFFFD0] =	vst v9;
	v46 =	vld.idx.msk [tilespmem:v40+s10+$0x0], $0xffff  }
0xea: {  	v48 =	vadd.s32 $0x13B0, v6;
	v50 =	vld.idx.msk [tilespmem:v43+s10+$0x0], $0xffff;
	[tilespmem:s22+$0xFFFFFFC0] =	vst v38  }
0xeb: {  	v49 =	vadd.s32 $0x13B0, v4;
	v41 =	vld.idx.msk [tilespmem:v34+s10+$0x0], $0xffff;
	[tilespmem:s22+$0x70] =	vst v36  }
0xec: {  	v44 =	vadd.s32 $0xFC0, v0;
	v19 =	vld.idx.msk [tilespmem:v42+s10+$0x0], $0xffff;
	[tilespmem:s22+$0x10] =	vst v13  }
0xed: {  	v51 =	vadd.s32 $0x13B0, v3;
	[tilespmem:s22+$0x20] =	vst v16;
	v8 =	vld.idx.msk [tilespmem:v8+s10+$0x0], $0xffff  }
0xee: {  	v47 =	vadd.s32 $0x17A0, v7;
	[tilespmem:s22+$0x0] =	vst v18;
	v17 =	vld.idx.msk [tilespmem:v45+s10+$0x0], $0xffff  }
0xef: {  	v52 =	vadd.s32 $0x13B0, v2;
	[tilespmem:s22+$0x30] =	vst v46;
	v11 =	vld.idx.msk [tilespmem:v48+s10+$0x0], $0xffff  }
0xf0: {  	v55 =	vadd.s32 $0x17A0, v6;
	v54 =	vld.idx.msk [tilespmem:v49+s10+$0x0], $0xffff;
	[tilespmem:s22+$0xFFFFFFE0] =	vst v41  }
0xf1: {  	v56 =	vadd.s32 $0x17A0, v5;
	[tilespmem:s22+$0x50] =	vst v50;
	v15 =	vld.idx.msk [tilespmem:v44+s10+$0x0], $0xffff  }
0xf2: {  	v53 =	vadd.s32 $0x13B0, v0;
	v14 =	vld.idx.msk [tilespmem:v51+s10+$0x0], $0xffff;
	[tilespmem:s22+$0xF0] =	vst v8  }
0xf3: {  	[tilespmem:s22+$0x40] =	vst v19;
	v8 =	vadd.s32 $0x13B0, v1;
	v9 =	vld.idx.msk [tilespmem:v47+s10+$0x0], $0xffff  }
0xf4: {  	v7 =	vadd.s32 $0x1B90, v7;
	v16 =	vld.idx.msk [tilespmem:v52+s10+$0x0], $0xffff;
	[tilespmem:s22+$0x80] =	vst v11  }
0xf5: {  	v57 =	vadd.s32 $0x17A0, v4;
	[tilespmem:s22+$0x90] =	vst v17;
	v12 =	vld.idx.msk [tilespmem:v55+s10+$0x0], $0xffff  }
0xf6: {  	v58 =	vadd.s32 $0x17A0, v3;
	v13 =	vld.idx.msk [tilespmem:v56+s10+$0x0], $0xffff;
	[tilespmem:s22+$0x60] =	vst v15  }
0xf7: {  	v59 =	vadd.s32 $0x17A0, v2;
	[tilespmem:s22+$0xA0] =	vst v54;
	v18 =	vld.idx.msk [tilespmem:v53+s10+$0x0], $0xffff  }
0xf8: {  	v6 =	vadd.s32 $0x1B90, v6;
	v8 =	vld.idx.msk [tilespmem:v8+s10+$0x0], $0xffff;
	[tilespmem:s22+$0x170] =	vst v9  }
0xf9: {  	v60 =	vadd.s32 $0x17A0, v1;
	[tilespmem:s22+$0xB0] =	vst v14;
	v7 =	vld.idx.msk [tilespmem:v7+s10+$0x0], $0xffff  }
0xfa: {  	v61 =	vadd.s32 $0x17A0, v0;
	v62 =	vld.idx.msk [tilespmem:v57+s10+$0x0], $0xffff;
	[tilespmem:s22+$0xC0] =	vst v16  }
0xfb: {  	v5 =	vadd.s32 $0x1B90, v5;
	v63 =	vld.idx.msk [tilespmem:v58+s10+$0x0], $0xffff;
	[tilespmem:s22+$0x100] =	vst v12  }
0xfc: {  	v3 =	vadd.s32 $0x1B90, v3;
	v9 =	vld.idx.msk [tilespmem:v59+s10+$0x0], $0xffff;
	[tilespmem:s22+$0xE0] =	vst v18  }
0xfd: {  	v12 =	vld.idx.msk [tilespmem:v6+s10+$0x0], $0xffff;
	[tilespmem:s22+$0xD0] =	vst v8;
	v8 =	vadd.s32 $0x1B90, v4  }
0xfe: {  	v11 =	vld.idx.msk [tilespmem:v60+s10+$0x0], $0xffff;
	[tilespmem:s22+$0x1F0] =	vst v7;
	v7 =	vadd.s32 $0x1B90, v2  }
0xff: {  	v1 =	vadd.s32 $0x1B90, v1;
	[tilespmem:s22+$0x110] =	vst v13;
	v10 =	vld.idx.msk [tilespmem:v61+s10+$0x0], $0xffff  }
0x100: {  	v0 =	vadd.s32 $0x1B90, v0;
	[tilespmem:s22+$0x130] =	vst v63;
	v4 =	vld.idx.msk [tilespmem:v5+s10+$0x0], $0xffff  }
0x101: {  	[tilespmem:s22+$0x120] =	vst v62;
	v2 =	vld.idx.msk [tilespmem:v3+s10+$0x0], $0xffff  }
0x102: {  	[tilespmem:s22+$0x140] =	vst v9;
	v5 =	vld.idx.msk [tilespmem:v8+s10+$0x0], $0xffff  }
0x103: {  	[tilespmem:s22+$0x150] =	vst v11;
	v6 =	vld.idx.msk [tilespmem:v7+s10+$0x0], $0xffff  }
0x104: {  	[tilespmem:s22+$0x160] =	vst v10;
	v3 =	vld.idx.msk [tilespmem:v1+s10+$0x0], $0xffff  }
0x105: {  	s21 =	sor.u32 $0x1, s21;
	s24 =	sadd.s32 $0x80, s20;
	s23 =	simm.s32 $0x0;
	[tilespmem:s22+$0x180] =	vst v12;
	v1 =	vld.idx.msk [tilespmem:v0+s10+$0x0], $0xffff  }
.LBB2_6:
0x106: {  	v0 =	vld [tilespmem:s24+$0x0];
	s23 =	sadd.s32 $0x8, s23;
	[tilespmem:s22+$0x190] =	vst v4  }
0x107: {  	v7 =	vld [tilespmem:s24+$0xFFFFFFA0];
	p2 =	slt.u32 s23, $0x38;
	[tilespmem:s22+$0x1A0] =	vst v5  }
0x108: {  	v5 =	vld [tilespmem:s24+$0xFFFFFFB0];
	[tilespmem:s22+$0x1B0] =	vst v2  }
0x109: {  	v2 =	vld [tilespmem:s24+$0xFFFFFFC0];
	[tilespmem:s22+$0x1C0] =	vst v6  }
0x10a: {  	v6 =	vld [tilespmem:s24+$0xFFFFFFD0];
	[tilespmem:s22+$0x1D0] =	vst v3  }
0x10b: {  	v3 =	vld [tilespmem:s24+$0xFFFFFFE0];
	[tilespmem:s22+$0x1E0] =	vst v1  }
0x10c: {  	v1 =	vadd.s32 $0x3F0, v7;
	v21 =	vadd.s32 $0x7E0, v7;
	v22 =	vadd.s32 $0xBD0, v7;
	v23 =	vld [tilespmem:s24+$0xFFFFFFF0]  }
0x10d: {  	v4 =	vld [tilespmem:s24+$0xFFFFFF90];
	v8 =	vadd.s32 $0x3F0, v5;
	v24 =	vadd.s32 $0x7E0, v5;
	v25 =	vadd.s32 $0xBD0, v5  }
0x10e: {  	v9 =	vadd.s32 $0x3F0, v2;
	v26 =	vadd.s32 $0x7E0, v2;
	v27 =	vadd.s32 $0xBD0, v2;
	v10 =	vld.idx.msk [tilespmem:v0+s10+$0x0], $0xffff  }
0x10f: {  	v11 =	vld.idx.msk [tilespmem:v7+s10+$0x0], $0xffff;
	v12 =	vadd.s32 $0x3F0, v6;
	v28 =	vadd.s32 $0x7E0, v6;
	v29 =	vadd.s32 $0xBD0, v6  }
0x110: {  	v14 =	vadd.s32 $0x3F0, v0;
	v13 =	vld.idx.msk [tilespmem:v5+s10+$0x0], $0xffff;
	v30 =	vadd.s32 $0x3F0, v3;
	v31 =	vadd.s32 $0x7E0, v3  }
0x111: {  	v32 =	vadd.s32 $0xBD0, v3;
	v16 =	vld.idx.msk [tilespmem:v2+s10+$0x0], $0xffff;
	v33 =	vadd.s32 $0x3F0, v23;
	v34 =	vadd.s32 $0x7E0, v23  }
0x112: {  	v35 =	vadd.s32 $0x3F0, v4;
	v36 =	vadd.s32 $0x7E0, v4;
	v37 =	vadd.s32 $0xBD0, v4;
	v20 =	vld.idx.msk [tilespmem:v6+s10+$0x0], $0xffff  }
0x113: {  	s22 =	sadd.s32 $0x400, s22;
	v39 =	vadd.s32 $0xFC0, v7;
	v41 =	vadd.s32 $0xBD0, v23;
	v38 =	vadd.s32 $0xFC0, v4;
	v40 =	vld.idx.msk [tilespmem:v3+s10+$0x0], $0xffff  }
0x114: {  	v42 =	vadd.s32 $0xFC0, v5;
	v43 =	vadd.s32 $0xFC0, v2;
	v44 =	vadd.s32 $0xFC0, v6;
	v45 =	vld.idx.msk [tilespmem:v23+s10+$0x0], $0xffff;
	[tilespmem:s22+$0xFFFFFE70] =	vst v10  }
0x115: {  	v46 =	vadd.s32 $0xFC0, v3;
	v47 =	vadd.s32 $0xFC0, v23;
	v15 =	vadd.s32 $0x13B0, v4;
	[tilespmem:s22+$0xFFFFFE10] =	vst v11;
	v48 =	vld.idx.msk [tilespmem:v14+s10+$0x0], $0xffff  }
0x116: {  	v50 =	vadd.s32 $0x13B0, v7;
	v19 =	vadd.s32 $0x13B0, v5;
	v17 =	vadd.s32 $0x13B0, v2;
	v49 =	vld.idx.msk [tilespmem:v4+s10+$0x0], $0xffff;
	[tilespmem:s22+$0xFFFFFE20] =	vst v13  }
0x117: {  	v52 =	vadd.s32 $0x7E0, v0;
	v18 =	vadd.s32 $0x13B0, v6;
	v51 =	vld.idx.msk [tilespmem:v1+s10+$0x0], $0xffff;
	[tilespmem:s22+$0xFFFFFE30] =	vst v16;
	v16 =	vadd.s32 $0x13B0, v3  }
0x118: {  	v10 =	vadd.s32 $0x17A0, v7;
	v13 =	vadd.s32 $0x17A0, v4;
	v53 =	vld.idx.msk [tilespmem:v8+s10+$0x0], $0xffff;
	[tilespmem:s22+$0xFFFFFE40] =	vst v20;
	v20 =	vadd.s32 $0x13B0, v23  }
0x119: {  	v14 =	vadd.s32 $0x17A0, v5;
	v11 =	vadd.s32 $0x17A0, v2;
	v8 =	vadd.s32 $0x17A0, v6;
	v54 =	vld.idx.msk [tilespmem:v9+s10+$0x0], $0xffff;
	[tilespmem:s22+$0xFFFFFE50] =	vst v40  }
0x11a: {  	v4 =	vadd.s32 $0x1B90, v4;
	v9 =	vadd.s32 $0x17A0, v23;
	v40 =	vld.idx.msk [tilespmem:v12+s10+$0x0], $0xffff;
	v12 =	vadd.s32 $0x17A0, v3;
	[tilespmem:s22+$0xFFFFFE60] =	vst v45  }
0x11b: {  	v7 =	vadd.s32 $0x1B90, v7;
	v5 =	vadd.s32 $0x1B90, v5;
	v2 =	vadd.s32 $0x1B90, v2;
	v30 =	vld.idx.msk [tilespmem:v30+s10+$0x0], $0xffff;
	[tilespmem:s22+$0xFFFFFEF0] =	vst v48  }
0x11c: {  	v1 =	vadd.s32 $0x1B90, v23;
	v6 =	vadd.s32 $0x1B90, v6;
	v3 =	vadd.s32 $0x1B90, v3;
	[tilespmem:s22+$0xFFFFFE00] =	vst v49;
	v23 =	vld.idx.msk [tilespmem:v52+s10+$0x0], $0xffff  }
0x11d: {  	v35 =	vld.idx.msk [tilespmem:v35+s10+$0x0], $0xffff;
	[tilespmem:s22+$0xFFFFFE90] =	vst v51  }
0x11e: {  	v45 =	vadd.s32 $0xBD0, v0;
	[tilespmem:s22+$0xFFFFFEA0] =	vst v53;
	v33 =	vld.idx.msk [tilespmem:v33+s10+$0x0], $0xffff  }
0x11f: {  	v21 =	vld.idx.msk [tilespmem:v21+s10+$0x0], $0xffff;
	[tilespmem:s22+$0xFFFFFEB0] =	vst v54  }
0x120: {  	v24 =	vld.idx.msk [tilespmem:v24+s10+$0x0], $0xffff;
	[tilespmem:s22+$0xFFFFFEC0] =	vst v40  }
0x121: {  	v26 =	vld.idx.msk [tilespmem:v26+s10+$0x0], $0xffff;
	[tilespmem:s22+$0xFFFFFED0] =	vst v30  }
0x122: {  	v28 =	vld.idx.msk [tilespmem:v28+s10+$0x0], $0xffff;
	[tilespmem:s22+$0xFFFFFF70] =	vst v23  }
0x123: {  	[tilespmem:s22+$0xFFFFFE80] =	vst v35;
	v23 =	vld.idx.msk [tilespmem:v45+s10+$0x0], $0xffff  }
0x124: {  	v30 =	vld.idx.msk [tilespmem:v36+s10+$0x0], $0xffff;
	[tilespmem:s22+$0xFFFFFEE0] =	vst v33  }
0x125: {  	[tilespmem:s22+$0xFFFFFF10] =	vst v21;
	v21 =	vld.idx.msk [tilespmem:v31+s10+$0x0], $0xffff;
	v31 =	vadd.s32 $0xFC0, v0  }
0x126: {  	[tilespmem:s22+$0xFFFFFF20] =	vst v24;
	v24 =	vld.idx.msk [tilespmem:v34+s10+$0x0], $0xffff  }
0x127: {  	v22 =	vld.idx.msk [tilespmem:v22+s10+$0x0], $0xffff;
	[tilespmem:s22+$0xFFFFFF30] =	vst v26  }
0x128: {  	v25 =	vld.idx.msk [tilespmem:v25+s10+$0x0], $0xffff;
	[tilespmem:s22+$0xFFFFFF40] =	vst v28  }
0x129: {  	v26 =	vld.idx.msk [tilespmem:v27+s10+$0x0], $0xffff;
	[tilespmem:s22+$0xFFFFFFF0] =	vst v23  }
0x12a: {  	[tilespmem:s22+$0xFFFFFF00] =	vst v30;
	v23 =	vld.idx.msk [tilespmem:v31+s10+$0x0], $0xffff  }
0x12b: {  	v27 =	vld.idx.msk [tilespmem:v37+s10+$0x0], $0xffff;
	[tilespmem:s22+$0xFFFFFF50] =	vst v21  }
0x12c: {  	v21 =	vld.idx.msk [tilespmem:v29+s10+$0x0], $0xffff;
	[tilespmem:s22+$0xFFFFFF60] =	vst v24;
	v24 =	vadd.s32 $0x13B0, v0  }
0x12d: {  	[tilespmem:s22+$0xFFFFFF90] =	vst v22;
	v22 =	vld.idx.msk [tilespmem:v32+s10+$0x0], $0xffff  }
0x12e: {  	[tilespmem:s22+$0xFFFFFFA0] =	vst v25;
	v25 =	vld.idx.msk [tilespmem:v41+s10+$0x0], $0xffff  }
0x12f: {  	v28 =	vld.idx.msk [tilespmem:v39+s10+$0x0], $0xffff;
	[tilespmem:s22+$0xFFFFFFB0] =	vst v26  }
0x130: {  	v26 =	vld.idx.msk [tilespmem:v42+s10+$0x0], $0xffff;
	[tilespmem:s22+$0x70] =	vst v23  }
0x131: {  	[tilespmem:s22+$0xFFFFFF80] =	vst v27;
	v23 =	vld.idx.msk [tilespmem:v24+s10+$0x0], $0xffff  }
0x132: {  	v24 =	vld.idx.msk [tilespmem:v38+s10+$0x0], $0xffff;
	[tilespmem:s22+$0xFFFFFFC0] =	vst v21  }
0x133: {  	v21 =	vld.idx.msk [tilespmem:v43+s10+$0x0], $0xffff;
	[tilespmem:s22+$0xFFFFFFD0] =	vst v22;
	v22 =	vadd.s32 $0x17A0, v0  }
0x134: {  	v27 =	vld.idx.msk [tilespmem:v44+s10+$0x0], $0xffff;
	[tilespmem:s22+$0xFFFFFFE0] =	vst v25  }
0x135: {  	[tilespmem:s22+$0x10] =	vst v28;
	v25 =	vld.idx.msk [tilespmem:v46+s10+$0x0], $0xffff  }
0x136: {  	[tilespmem:s22+$0x20] =	vst v26;
	v26 =	vld.idx.msk [tilespmem:v47+s10+$0x0], $0xffff  }
0x137: {  	v28 =	vld.idx.msk [tilespmem:v50+s10+$0x0], $0xffff;
	[tilespmem:s22+$0xF0] =	vst v23  }
0x138: {  	[tilespmem:s22+$0x0] =	vst v24;
	v22 =	vld.idx.msk [tilespmem:v22+s10+$0x0], $0xffff  }
0x139: {  	v15 =	vld.idx.msk [tilespmem:v15+s10+$0x0], $0xffff;
	[tilespmem:s22+$0x30] =	vst v21  }
0x13a: {  	v0 =	vadd.s32 $0x1B90, v0;
	v19 =	vld.idx.msk [tilespmem:v19+s10+$0x0], $0xffff;
	[tilespmem:s22+$0x40] =	vst v27  }
0x13b: {  	v17 =	vld.idx.msk [tilespmem:v17+s10+$0x0], $0xffff;
	[tilespmem:s22+$0x50] =	vst v25  }
0x13c: {  	v18 =	vld.idx.msk [tilespmem:v18+s10+$0x0], $0xffff;
	[tilespmem:s22+$0x60] =	vst v26  }
0x13d: {  	[tilespmem:s22+$0x90] =	vst v28;
	v16 =	vld.idx.msk [tilespmem:v16+s10+$0x0], $0xffff  }
0x13e: {  	v20 =	vld.idx.msk [tilespmem:v20+s10+$0x0], $0xffff;
	[tilespmem:s22+$0x170] =	vst v22  }
0x13f: {  	[tilespmem:s22+$0x80] =	vst v15;
	v0 =	vld.idx.msk [tilespmem:v0+s10+$0x0], $0xffff  }
0x140: {  	v13 =	vld.idx.msk [tilespmem:v13+s10+$0x0], $0xffff;
	[tilespmem:s22+$0xA0] =	vst v19  }
0x141: {  	v10 =	vld.idx.msk [tilespmem:v10+s10+$0x0], $0xffff;
	[tilespmem:s22+$0xB0] =	vst v17  }
0x142: {  	v14 =	vld.idx.msk [tilespmem:v14+s10+$0x0], $0xffff;
	[tilespmem:s22+$0xC0] =	vst v18  }
0x143: {  	v11 =	vld.idx.msk [tilespmem:v11+s10+$0x0], $0xffff;
	[tilespmem:s22+$0xD0] =	vst v16  }
0x144: {  	v8 =	vld.idx.msk [tilespmem:v8+s10+$0x0], $0xffff;
	[tilespmem:s22+$0xE0] =	vst v20  }
0x145: {  	v12 =	vld.idx.msk [tilespmem:v12+s10+$0x0], $0xffff;
	[tilespmem:s22+$0x1F0] =	vst v0  }
0x146: {  	[tilespmem:s22+$0x100] =	vst v13;
	v0 =	vld.idx.msk [tilespmem:v9+s10+$0x0], $0xffff  }
0x147: {  	v9 =	vld.idx.msk [tilespmem:v4+s10+$0x0], $0xffff;
	[tilespmem:s22+$0x110] =	vst v10  }
0x148: {  	v4 =	vld.idx.msk [tilespmem:v7+s10+$0x0], $0xffff;
	[tilespmem:s22+$0x120] =	vst v14  }
.Ltmp4:
0x149: {  	v5 =	vld.idx.msk [tilespmem:v5+s10+$0x0], $0xffff;
	[tilespmem:s22+$0x130] =	vst v11;
	(pc) =	sbr.rel @p2 .LBB2_6-.Ltmp4, $4  }
0x14a: {  	v2 =	vld.idx.msk [tilespmem:v2+s10+$0x0], $0xffff;
	[tilespmem:s22+$0x140] =	vst v8  }
0x14b: {  	v6 =	vld.idx.msk [tilespmem:v6+s10+$0x0], $0xffff;
	[tilespmem:s22+$0x150] =	vst v12  }
0x14c: {  	v3 =	vld.idx.msk [tilespmem:v3+s10+$0x0], $0xffff;
	[tilespmem:s22+$0x160] =	vst v0  }
0x14d: {  	s24 =	sadd.s32 $0x80, s24;
	[tilespmem:s22+$0x180] =	vst v9;
	v1 =	vld.idx.msk [tilespmem:v1+s10+$0x0], $0xffff  }
0x14e: {  	[tilespmem:s22+$0x190] =	vst v4;
	s17 =	sadd.s32 $0x1, s17  }
0x14f: {  	[tilespmem:s22+$0x1A0] =	vst v5;
	s21 =	smul.u32 $0xFA000, s21;
	p2 =	sne.s32 s17, $0x19  }
.Ltmp5:
0x150: {  	[tilespmem:s22+$0x1B0] =	vst v2;
	(pc) =	sbr.rel @p2 .LBB2_3-.Ltmp5, $4  }
0x151: {  	[tilespmem:s22+$0x1C0] =	vst v6;
	s21 =	sadd.s32 s18, s21  }
0x152: {  	[tilespmem:s22+$0x1D0] =	vst v3;
	s21 =	sshrl.u32 s21, $0x3  }
0x153: {  	s19 =	sadd.s32 $0x800, s19;
	s20 =	sadd.s32 $0x800, s20;
	[tilespmem:s22+$0x1E0] =	vst v1;
	s21 =	sadd.s32 s2, s21  }
0x154: {  	[hbm4b:s21+s3] =	stream.linear.scatter [tilespmem:s12], [sflag:$0x2], $0x2000, $0x38;
	[tilespmem:$0x12780] =	vst v63  }
0x155: {  	s16 =	sadd.s32 $0x1, s16  }
0x156: {  	p1 =	slt.u32 s16, s7  }
.Ltmp6:
0x157: {  	_ = 	snop;
	(pc) =	sbr.rel @p1 .LBB2_2-.Ltmp6, $4  }
.Ltmp7:
0x158: {  	_ = 	snop;
	(pc) =	sbr.rel @!p1 .LBB2_9-.Ltmp7, $4  }
0x159: {  	_ = 	snop  }
0x15a: {  	_ = 	snop  }
0x15b: {  	_ = 	snop  }
0x15c: {  	_ = 	snop  }
.LBB2_10:
0x15d: {  	_ =	sfence.sel $0x180000  }
0x15e: {  	[bflag:$0x0] =	sbarrier.arrive $0xFFFF  }
0x15f: {  	p0 =	sne.s32 s0, $0x0;
	_ =	strace $0x90000047  }
0x160: {  	s0 =	sadd.s32 @!p0 $0x100000, s1;
	[bflag:$0x2] =	sbarrier.arrive $0xFFFF  }
0x161: {  	[sflag:s0] =	ssyncadd.tile.s32 @!p0 $0x1;
	_ =	shalt  }
.Lfunc_end2:
_tile_overlayer_lowered:
.L_overlay_start_2:
0x162: {  	(tag) =	ssettag $0x2  }
0x163: {  	s0 =	rddreg [dreg:$0x0];
	s2 =	stileid.u32  }
0x164: {  	s1 =	rddreg [dreg:$0x1];
	p0 =	sne.s32 s2, $0x0  }
0x165: {  	s3 =	rddreg [dreg:$0x2];
	[bflag:$0x3] =	sbarrier.arrive $0xFFFF;
	s2 =	simm.s32 @!p0 $0x1C03  }
0x166: {  	[timem:s3], [sflag:s2] =	dma.local @!p0 [hbm:s0], s1  }
0x167: {  	s0 =	simm.s32 @!p0 $0x3  }
0x168: {  	_ =	swait.ge @!p0 [sflag:s0], s1  }
0x169: {  	s1 =	ssub.s32 @!p0 $0x0, s1;
	[sflag:s0] =	ssyncset.done @!p0 $0x0  }
0x16a: {  	[sflag:s0] =	ssyncadd.s32 @!p0 s1  }
0x16b: {  	[bflag:$0x3] =	sbarrier.arrive $0xFFFF  }
0x16c: {  	_ =	shalt  }

</sc_bundles>
